<compile_context>
chip_gen: v7x
topology: tpu7x:2x2x1
jax: 0.10.2.dev20260603
libtpu: 0.0.44.dev20260713+nightly
codegen_flags: <defaults>
</compile_context>

<pallas_src>
import functools

import jax
import jax.numpy as jnp
from jax import lax
from jax.experimental import pallas as pl
from jax.experimental.pallas import tpu as pltpu
from jax.experimental.pallas import tpu_sc as plsc

VOCAB = 1000000
DIM = 64
B = 16384
L = 50

_N_FLAT = B * L

_info = plsc.get_sparse_core_info()
_NC, _NS = _info.num_cores, _info.num_subcores
_NW = _NC * _NS
_PER_W = _N_FLAT // _NW
_NBUF = 4
_CHUNK = 400
_N_CHUNKS = _PER_W // _CHUNK
_N_GROUPS = _N_CHUNKS // _NBUF


def _make_gather():
    mesh = plsc.VectorSubcoreMesh(core_axis_name="c", subcore_axis_name="s")

    @functools.partial(
        pl.kernel,
        mesh=mesh,
        out_type=jax.ShapeDtypeStruct((_N_FLAT, DIM), jnp.float32),
        scratch_types=[
            pltpu.VMEM((_PER_W,), jnp.int32),
            pltpu.VMEM((_NBUF, _CHUNK, DIM), jnp.float32),
            pltpu.SemaphoreType.DMA((_NBUF,)),
            pltpu.SemaphoreType.DMA((_NBUF,)),
        ],
        compiler_params=pltpu.CompilerParams(use_tc_tiling_on_sc=False),
    )
    def gather_kernel(idx_hbm, table_hbm, out_hbm, idx_v, rows_v, g_sem, s_sem):
        wid = lax.axis_index("s") * _NC + lax.axis_index("c")
        w_base = wid * _PER_W

        pltpu.sync_copy(idx_hbm.at[pl.ds(w_base, _PER_W)], idx_v)

        def start_gather(j, b):
            pltpu.async_copy(
                table_hbm.at[idx_v.at[pl.ds(j * _CHUNK, _CHUNK)]],
                rows_v.at[b],
                g_sem.at[b],
            )

        def drain_and_scatter(j, b):
            pltpu.make_async_copy(
                table_hbm.at[idx_v.at[pl.ds(j * _CHUNK, _CHUNK)]],
                rows_v.at[b],
                g_sem.at[b],
            ).wait()
            pltpu.async_copy(
                rows_v.at[b],
                out_hbm.at[pl.ds(w_base + j * _CHUNK, _CHUNK)],
                s_sem.at[b],
            )

        def wait_scatter(j, b):
            pltpu.make_async_copy(
                rows_v.at[b],
                out_hbm.at[pl.ds(w_base + j * _CHUNK, _CHUNK)],
                s_sem.at[b],
            ).wait()

        for b in range(_NBUF):
            start_gather(b, b)
        for b in range(_NBUF):
            drain_and_scatter(b, b)

        def body(p, carry):
            for b in range(_NBUF):
                j = p * _NBUF + b
                wait_scatter(j - _NBUF, b)
                start_gather(j, b)
            for b in range(_NBUF):
                j = p * _NBUF + b
                drain_and_scatter(j, b)
            return carry

        lax.fori_loop(1, _N_GROUPS, body, 0)

        for b in range(_NBUF):
            wait_scatter((_N_GROUPS - 1) * _NBUF + b, b)

    return gather_kernel


_gather = _make_gather()


def kernel(x, table):
    flat_idx = x.reshape(_N_FLAT).astype(jnp.int32)
    out = _gather(flat_idx, table)
    return out.reshape(B, L, DIM)

# --- scband reference (transcript-rebuilt; emitter-appended) ---
"""Pipeline reference for scband-embedding-37185826849157 (READ-ONLY COPY).

The authoritative reference and input builder live on the scoring server;
editing this copy changes nothing except your own understanding.
"""

import jax, jax.numpy as jnp
import numpy as np

VOCAB = 1000000
DIM = 64
B = 16384
L = 50

def setup_inputs(seed: int = 0) -> dict:
    key = jax.random.key(seed)
    k1, k2 = jax.random.split(key)
    x = jax.random.randint(k1, (B, L), 0, VOCAB, dtype=jnp.int64 if jax.config.jax_enable_x64 else jnp.int32)
    # nn.Embedding default init: N(0, 1)
    table = jax.random.normal(k2, (VOCAB, DIM), dtype=jnp.float32)
    return {"x": x, "table": table}

def reference(x, table):
    # Faithful to nn.Embedding: gather rows of the table by index
    return jnp.take(table, x, axis=0)

if __name__ == "__main__":
    import jax
    _d = setup_inputs()
    print(jax.jit(kernel)(*tuple(_d.values())))

</pallas_src>

<mosaic_0001>
#map = affine_map<(d0, d1) -> (0)>
#map1 = affine_map<(d0, d1) -> (0, 0)>
module attributes {stable_mosaic.version = 14 : i64} {
  func.func @gather_kernel(%arg0: i32, %arg1: i32, %arg2: memref<819200xi32, #tpu.memory_space<hbm>>, %arg3: memref<1000000x64xf32, #tpu.memory_space<hbm>>, %arg4: memref<819200x64xf32, #tpu.memory_space<hbm>>, %arg5: memref<25600xi32, #tpu.memory_space<vmem>>, %arg6: memref<4x400x64xf32, #tpu.memory_space<vmem>>, %arg7: memref<4x!tpu.dma_semaphore, #tpu.memory_space<semaphore_mem>>, %arg8: memref<4x!tpu.dma_semaphore, #tpu.memory_space<semaphore_mem>>) attributes {dimension_semantics = [#tpu.dimension_semantics<core_parallel>, #tpu.dimension_semantics<subcore_parallel>], iteration_bounds = array<i64: 2, 16>, scalar_prefetch = 0 : i64, scratch_operands = 4 : i64, tpu.core_type = #tpu.core_type<sc_vector_subcore>, window_params = [{transform_indices = #map}, {transform_indices = #map1}, {transform_indices = #map1}]} {
    %mul3A = arith.constant 2 : i32
    %mul3A_0 = arith.muli %arg1, %mul3A : i32
    %add3A = arith.addi %mul3A_0, %arg0 : i32
    %mul3A_1 = arith.constant 25600 : i32
    %mul3A_2 = arith.muli %add3A, %mul3A_1 : i32
    "tpu.region"() ({
      %run_scoped3A = tpu.sem_alloc : memref<!tpu.dma_semaphore, #tpu.memory_space<semaphore_mem>>
      %dma_start3A_254 = tpu.memref_slice %arg2[%mul3A_2] : memref<819200xi32, #tpu.memory_space<hbm>> -> memref<25600xi32, #tpu.memory_space<hbm>>
      %dma_start3A_255 = tpu.memref_slice %arg2[%mul3A_2] : memref<819200xi32, #tpu.memory_space<hbm>> -> memref<25600xi32, #tpu.memory_space<hbm>>
      tpu.enqueue_dma source(%dma_start3A_255 : memref<25600xi32, #tpu.memory_space<hbm>>) target(%arg5 : memref<25600xi32, #tpu.memory_space<vmem>>) target_semaphore(%run_scoped3A : memref<!tpu.dma_semaphore, #tpu.memory_space<semaphore_mem>>)
      %dma_wait3A_256 = tpu.memref_slice %arg2[%mul3A_2] : memref<819200xi32, #tpu.memory_space<hbm>> -> memref<25600xi32, #tpu.memory_space<hbm>>
      %dma_wait3A_257 = tpu.memref_slice %arg2[%mul3A_2] : memref<819200xi32, #tpu.memory_space<hbm>> -> memref<25600xi32, #tpu.memory_space<hbm>>
      tpu.wait_dma2 semaphore(%run_scoped3A : memref<!tpu.dma_semaphore, #tpu.memory_space<semaphore_mem>>) src(%dma_wait3A_257 : memref<25600xi32, #tpu.memory_space<hbm>>) dst(%arg5 : memref<25600xi32, #tpu.memory_space<vmem>>)
      tpu.yield
    }) : () -> ()
    %dma_start3A = arith.constant 0 : i32
    %dma_start3A_3 = arith.constant 0 : i32
    %dma_start3A_4 = arith.constant 0 : i32
    %dma_start3A_5 = arith.constant 0 : i32
    %dma_start3A_6 = tpu.memref_slice %arg6[%dma_start3A, %dma_start3A_4, %dma_start3A_5] : memref<4x400x64xf32, #tpu.memory_space<vmem>> -> memref<1x400x64xf32, #tpu.memory_space<vmem>>
    %dma_start3A_7 = tpu.memref_squeeze %dma_start3A_6 : memref<1x400x64xf32, #tpu.memory_space<vmem>> -> memref<400x64xf32, #tpu.memory_space<vmem>>
    %dma_start3A_8 = arith.constant 0 : i32
    %dma_start3A_9 = tpu.memref_slice %arg5[%dma_start3A_8] : memref<25600xi32, #tpu.memory_space<vmem>> -> memref<400xi32, #tpu.memory_space<vmem>>
    %dma_start3A_10 = arith.constant 0 : i32
    %dma_start3A_11 = arith.constant 0 : i32
    %dma_start3A_12 = tpu.memref_slice %arg3[%dma_start3A_10, %dma_start3A_11] : memref<1000000x64xf32, #tpu.memory_space<hbm>> -> memref<1000000x64xf32, #tpu.memory_space<hbm>>
    %dma_start3A_13 = tpu.memref_slice %arg7[%dma_start3A_3] : memref<4x!tpu.dma_semaphore, #tpu.memory_space<semaphore_mem>> -> memref<1x!tpu.dma_semaphore, #tpu.memory_space<semaphore_mem>>
    %dma_start3A_14 = tpu.memref_squeeze %dma_start3A_13 : memref<1x!tpu.dma_semaphore, #tpu.memory_space<semaphore_mem>> -> memref<!tpu.dma_semaphore, #tpu.memory_space<semaphore_mem>>
    tpu.enqueue_indirect_dma source(%dma_start3A_12 : memref<1000000x64xf32, #tpu.memory_space<hbm>>) target(%dma_start3A_7 : memref<400x64xf32, #tpu.memory_space<vmem>>) offsets(%dma_start3A_9 : memref<400xi32, #tpu.memory_space<vmem>>) semaphore(%dma_start3A_14 : memref<!tpu.dma_semaphore, #tpu.memory_space<semaphore_mem>>)
    %dma_start3A_15 = arith.constant 1 : i32
    %dma_start3A_16 = arith.constant 1 : i32
    %dma_start3A_17 = arith.constant 0 : i32
    %dma_start3A_18 = arith.constant 0 : i32
    %dma_start3A_19 = tpu.memref_slice %arg6[%dma_start3A_15, %dma_start3A_17, %dma_start3A_18] : memref<4x400x64xf32, #tpu.memory_space<vmem>> -> memref<1x400x64xf32, #tpu.memory_space<vmem>>
    %dma_start3A_20 = tpu.memref_squeeze %dma_start3A_19 : memref<1x400x64xf32, #tpu.memory_space<vmem>> -> memref<400x64xf32, #tpu.memory_space<vmem>>
    %dma_start3A_21 = arith.constant 400 : i32
    %dma_start3A_22 = tpu.memref_slice %arg5[%dma_start3A_21] : memref<25600xi32, #tpu.memory_space<vmem>> -> memref<400xi32, #tpu.memory_space<vmem>>
    %dma_start3A_23 = arith.constant 0 : i32
    %dma_start3A_24 = arith.constant 0 : i32
    %dma_start3A_25 = tpu.memref_slice %arg3[%dma_start3A_23, %dma_start3A_24] : memref<1000000x64xf32, #tpu.memory_space<hbm>> -> memref<1000000x64xf32, #tpu.memory_space<hbm>>
    %dma_start3A_26 = tpu.memref_slice %arg7[%dma_start3A_16] : memref<4x!tpu.dma_semaphore, #tpu.memory_space<semaphore_mem>> -> memref<1x!tpu.dma_semaphore, #tpu.memory_space<semaphore_mem>>
    %dma_start3A_27 = tpu.memref_squeeze %dma_start3A_26 : memref<1x!tpu.dma_semaphore, #tpu.memory_space<semaphore_mem>> -> memref<!tpu.dma_semaphore, #tpu.memory_space<semaphore_mem>>
    tpu.enqueue_indirect_dma source(%dma_start3A_25 : memref<1000000x64xf32, #tpu.memory_space<hbm>>) target(%dma_start3A_20 : memref<400x64xf32, #tpu.memory_space<vmem>>) offsets(%dma_start3A_22 : memref<400xi32, #tpu.memory_space<vmem>>) semaphore(%dma_start3A_27 : memref<!tpu.dma_semaphore, #tpu.memory_space<semaphore_mem>>)
    %dma_start3A_28 = arith.constant 2 : i32
    %dma_start3A_29 = arith.constant 2 : i32
    %dma_start3A_30 = arith.constant 0 : i32
    %dma_start3A_31 = arith.constant 0 : i32
    %dma_start3A_32 = tpu.memref_slice %arg6[%dma_start3A_28, %dma_start3A_30, %dma_start3A_31] : memref<4x400x64xf32, #tpu.memory_space<vmem>> -> memref<1x400x64xf32, #tpu.memory_space<vmem>>
    %dma_start3A_33 = tpu.memref_squeeze %dma_start3A_32 : memref<1x400x64xf32, #tpu.memory_space<vmem>> -> memref<400x64xf32, #tpu.memory_space<vmem>>
    %dma_start3A_34 = arith.constant 800 : i32
    %dma_start3A_35 = tpu.memref_slice %arg5[%dma_start3A_34] : memref<25600xi32, #tpu.memory_space<vmem>> -> memref<400xi32, #tpu.memory_space<vmem>>
    %dma_start3A_36 = arith.constant 0 : i32
    %dma_start3A_37 = arith.constant 0 : i32
    %dma_start3A_38 = tpu.memref_slice %arg3[%dma_start3A_36, %dma_start3A_37] : memref<1000000x64xf32, #tpu.memory_space<hbm>> -> memref<1000000x64xf32, #tpu.memory_space<hbm>>
    %dma_start3A_39 = tpu.memref_slice %arg7[%dma_start3A_29] : memref<4x!tpu.dma_semaphore, #tpu.memory_space<semaphore_mem>> -> memref<1x!tpu.dma_semaphore, #tpu.memory_space<semaphore_mem>>
    %dma_start3A_40 = tpu.memref_squeeze %dma_start3A_39 : memref<1x!tpu.dma_semaphore, #tpu.memory_space<semaphore_mem>> -> memref<!tpu.dma_semaphore, #tpu.memory_space<semaphore_mem>>
    tpu.enqueue_indirect_dma source(%dma_start3A_38 : memref<1000000x64xf32, #tpu.memory_space<hbm>>) target(%dma_start3A_33 : memref<400x64xf32, #tpu.memory_space<vmem>>) offsets(%dma_start3A_35 : memref<400xi32, #tpu.memory_space<vmem>>) semaphore(%dma_start3A_40 : memref<!tpu.dma_semaphore, #tpu.memory_space<semaphore_mem>>)
    %dma_start3A_41 = arith.constant 3 : i32
    %dma_start3A_42 = arith.constant 3 : i32
    %dma_start3A_43 = arith.constant 0 : i32
    %dma_start3A_44 = arith.constant 0 : i32
    %dma_start3A_45 = tpu.memref_slice %arg6[%dma_start3A_41, %dma_start3A_43, %dma_start3A_44] : memref<4x400x64xf32, #tpu.memory_space<vmem>> -> memref<1x400x64xf32, #tpu.memory_space<vmem>>
    %dma_start3A_46 = tpu.memref_squeeze %dma_start3A_45 : memref<1x400x64xf32, #tpu.memory_space<vmem>> -> memref<400x64xf32, #tpu.memory_space<vmem>>
    %dma_start3A_47 = arith.constant 1200 : i32
    %dma_start3A_48 = tpu.memref_slice %arg5[%dma_start3A_47] : memref<25600xi32, #tpu.memory_space<vmem>> -> memref<400xi32, #tpu.memory_space<vmem>>
    %dma_start3A_49 = arith.constant 0 : i32
    %dma_start3A_50 = arith.constant 0 : i32
    %dma_start3A_51 = tpu.memref_slice %arg3[%dma_start3A_49, %dma_start3A_50] : memref<1000000x64xf32, #tpu.memory_space<hbm>> -> memref<1000000x64xf32, #tpu.memory_space<hbm>>
    %dma_start3A_52 = tpu.memref_slice %arg7[%dma_start3A_42] : memref<4x!tpu.dma_semaphore, #tpu.memory_space<semaphore_mem>> -> memref<1x!tpu.dma_semaphore, #tpu.memory_space<semaphore_mem>>
    %dma_start3A_53 = tpu.memref_squeeze %dma_start3A_52 : memref<1x!tpu.dma_semaphore, #tpu.memory_space<semaphore_mem>> -> memref<!tpu.dma_semaphore, #tpu.memory_space<semaphore_mem>>
    tpu.enqueue_indirect_dma source(%dma_start3A_51 : memref<1000000x64xf32, #tpu.memory_space<hbm>>) target(%dma_start3A_46 : memref<400x64xf32, #tpu.memory_space<vmem>>) offsets(%dma_start3A_48 : memref<400xi32, #tpu.memory_space<vmem>>) semaphore(%dma_start3A_53 : memref<!tpu.dma_semaphore, #tpu.memory_space<semaphore_mem>>)
    %dma_wait3A = arith.constant 0 : i32
    %dma_wait3A_54 = arith.constant 0 : i32
    %dma_wait3A_55 = arith.constant 0 : i32
    %dma_wait3A_56 = arith.constant 0 : i32
    %dma_wait3A_57 = tpu.memref_slice %arg6[%dma_wait3A, %dma_wait3A_55, %dma_wait3A_56] : memref<4x400x64xf32, #tpu.memory_space<vmem>> -> memref<1x400x64xf32, #tpu.memory_space<vmem>>
    %dma_wait3A_58 = tpu.memref_squeeze %dma_wait3A_57 : memref<1x400x64xf32, #tpu.memory_space<vmem>> -> memref<400x64xf32, #tpu.memory_space<vmem>>
    %dma_wait3A_59 = arith.constant 0 : i32
    %dma_wait3A_60 = tpu.memref_slice %arg5[%dma_wait3A_59] : memref<25600xi32, #tpu.memory_space<vmem>> -> memref<400xi32, #tpu.memory_space<vmem>>
    %dma_wait3A_61 = arith.constant 0 : i32
    %dma_wait3A_62 = arith.constant 0 : i32
    %dma_wait3A_63 = tpu.memref_slice %arg3[%dma_wait3A_61, %dma_wait3A_62] : memref<1000000x64xf32, #tpu.memory_space<hbm>> -> memref<1000000x64xf32, #tpu.memory_space<hbm>>
    %dma_wait3A_64 = tpu.memref_slice %arg7[%dma_wait3A_54] : memref<4x!tpu.dma_semaphore, #tpu.memory_space<semaphore_mem>> -> memref<1x!tpu.dma_semaphore, #tpu.memory_space<semaphore_mem>>
    %dma_wait3A_65 = tpu.memref_squeeze %dma_wait3A_64 : memref<1x!tpu.dma_semaphore, #tpu.memory_space<semaphore_mem>> -> memref<!tpu.dma_semaphore, #tpu.memory_space<semaphore_mem>>
    tpu.wait_indirect_dma semaphore(%dma_wait3A_65 : memref<!tpu.dma_semaphore, #tpu.memory_space<semaphore_mem>>) src(%dma_wait3A_63 : memref<1000000x64xf32, #tpu.memory_space<hbm>>) dst(%dma_wait3A_58 : memref<400x64xf32, #tpu.memory_space<vmem>>)
    %add3A_66 = arith.constant 0 : i32
    %add3A_67 = arith.addi %mul3A_2, %add3A_66 : i32
    %dma_start3A_68 = arith.constant 0 : i32
    %dma_start3A_69 = arith.constant 0 : i32
    %dma_start3A_70 = arith.constant 0 : i32
    %dma_start3A_71 = arith.constant 0 : i32
    %dma_start3A_72 = tpu.memref_slice %arg6[%dma_start3A_68, %dma_start3A_70, %dma_start3A_71] : memref<4x400x64xf32, #tpu.memory_space<vmem>> -> memref<1x400x64xf32, #tpu.memory_space<vmem>>
    %dma_start3A_73 = tpu.memref_squeeze %dma_start3A_72 : memref<1x400x64xf32, #tpu.memory_space<vmem>> -> memref<400x64xf32, #tpu.memory_space<vmem>>
    %dma_start3A_74 = arith.constant 0 : i32
    %dma_start3A_75 = tpu.memref_slice %arg4[%add3A_67, %dma_start3A_74] : memref<819200x64xf32, #tpu.memory_space<hbm>> -> memref<400x64xf32, #tpu.memory_space<hbm>>
    %dma_start3A_76 = tpu.memref_slice %arg8[%dma_start3A_69] : memref<4x!tpu.dma_semaphore, #tpu.memory_space<semaphore_mem>> -> memref<1x!tpu.dma_semaphore, #tpu.memory_space<semaphore_mem>>
    %dma_start3A_77 = tpu.memref_squeeze %dma_start3A_76 : memref<1x!tpu.dma_semaphore, #tpu.memory_space<semaphore_mem>> -> memref<!tpu.dma_semaphore, #tpu.memory_space<semaphore_mem>>
    %dma_start3A_78 = arith.constant 0 : i32
    %dma_start3A_79 = tpu.memref_slice %arg4[%add3A_67, %dma_start3A_78] : memref<819200x64xf32, #tpu.memory_space<hbm>> -> memref<400x64xf32, #tpu.memory_space<hbm>>
    %dma_start3A_80 = arith.constant 0 : i32
    %dma_start3A_81 = arith.constant 0 : i32
    %dma_start3A_82 = tpu.memref_slice %arg6[%dma_start3A_68, %dma_start3A_80, %dma_start3A_81] : memref<4x400x64xf32, #tpu.memory_space<vmem>> -> memref<1x400x64xf32, #tpu.memory_space<vmem>>
    %dma_start3A_83 = tpu.memref_squeeze %dma_start3A_82 : memref<1x400x64xf32, #tpu.memory_space<vmem>> -> memref<400x64xf32, #tpu.memory_space<vmem>>
    tpu.enqueue_dma source(%dma_start3A_83 : memref<400x64xf32, #tpu.memory_space<vmem>>) target(%dma_start3A_79 : memref<400x64xf32, #tpu.memory_space<hbm>>) target_semaphore(%dma_start3A_77 : memref<!tpu.dma_semaphore, #tpu.memory_space<semaphore_mem>>)
    %dma_wait3A_84 = arith.constant 1 : i32
    %dma_wait3A_85 = arith.constant 1 : i32
    %dma_wait3A_86 = arith.constant 0 : i32
    %dma_wait3A_87 = arith.constant 0 : i32
    %dma_wait3A_88 = tpu.memref_slice %arg6[%dma_wait3A_84, %dma_wait3A_86, %dma_wait3A_87] : memref<4x400x64xf32, #tpu.memory_space<vmem>> -> memref<1x400x64xf32, #tpu.memory_space<vmem>>
    %dma_wait3A_89 = tpu.memref_squeeze %dma_wait3A_88 : memref<1x400x64xf32, #tpu.memory_space<vmem>> -> memref<400x64xf32, #tpu.memory_space<vmem>>
    %dma_wait3A_90 = arith.constant 400 : i32
    %dma_wait3A_91 = tpu.memref_slice %arg5[%dma_wait3A_90] : memref<25600xi32, #tpu.memory_space<vmem>> -> memref<400xi32, #tpu.memory_space<vmem>>
    %dma_wait3A_92 = arith.constant 0 : i32
    %dma_wait3A_93 = arith.constant 0 : i32
    %dma_wait3A_94 = tpu.memref_slice %arg3[%dma_wait3A_92, %dma_wait3A_93] : memref<1000000x64xf32, #tpu.memory_space<hbm>> -> memref<1000000x64xf32, #tpu.memory_space<hbm>>
    %dma_wait3A_95 = tpu.memref_slice %arg7[%dma_wait3A_85] : memref<4x!tpu.dma_semaphore, #tpu.memory_space<semaphore_mem>> -> memref<1x!tpu.dma_semaphore, #tpu.memory_space<semaphore_mem>>
    %dma_wait3A_96 = tpu.memref_squeeze %dma_wait3A_95 : memref<1x!tpu.dma_semaphore, #tpu.memory_space<semaphore_mem>> -> memref<!tpu.dma_semaphore, #tpu.memory_space<semaphore_mem>>
    tpu.wait_indirect_dma semaphore(%dma_wait3A_96 : memref<!tpu.dma_semaphore, #tpu.memory_space<semaphore_mem>>) src(%dma_wait3A_94 : memref<1000000x64xf32, #tpu.memory_space<hbm>>) dst(%dma_wait3A_89 : memref<400x64xf32, #tpu.memory_space<vmem>>)
    %add3A_97 = arith.constant 400 : i32
    %add3A_98 = arith.addi %mul3A_2, %add3A_97 : i32
    %dma_start3A_99 = arith.constant 1 : i32
    %dma_start3A_100 = arith.constant 1 : i32
    %dma_start3A_101 = arith.constant 0 : i32
    %dma_start3A_102 = arith.constant 0 : i32
    %dma_start3A_103 = tpu.memref_slice %arg6[%dma_start3A_99, %dma_start3A_101, %dma_start3A_102] : memref<4x400x64xf32, #tpu.memory_space<vmem>> -> memref<1x400x64xf32, #tpu.memory_space<vmem>>
    %dma_start3A_104 = tpu.memref_squeeze %dma_start3A_103 : memref<1x400x64xf32, #tpu.memory_space<vmem>> -> memref<400x64xf32, #tpu.memory_space<vmem>>
    %dma_start3A_105 = arith.constant 0 : i32
    %dma_start3A_106 = tpu.memref_slice %arg4[%add3A_98, %dma_start3A_105] : memref<819200x64xf32, #tpu.memory_space<hbm>> -> memref<400x64xf32, #tpu.memory_space<hbm>>
    %dma_start3A_107 = tpu.memref_slice %arg8[%dma_start3A_100] : memref<4x!tpu.dma_semaphore, #tpu.memory_space<semaphore_mem>> -> memref<1x!tpu.dma_semaphore, #tpu.memory_space<semaphore_mem>>
    %dma_start3A_108 = tpu.memref_squeeze %dma_start3A_107 : memref<1x!tpu.dma_semaphore, #tpu.memory_space<semaphore_mem>> -> memref<!tpu.dma_semaphore, #tpu.memory_space<semaphore_mem>>
    %dma_start3A_109 = arith.constant 0 : i32
    %dma_start3A_110 = tpu.memref_slice %arg4[%add3A_98, %dma_start3A_109] : memref<819200x64xf32, #tpu.memory_space<hbm>> -> memref<400x64xf32, #tpu.memory_space<hbm>>
    %dma_start3A_111 = arith.constant 0 : i32
    %dma_start3A_112 = arith.constant 0 : i32
    %dma_start3A_113 = tpu.memref_slice %arg6[%dma_start3A_99, %dma_start3A_111, %dma_start3A_112] : memref<4x400x64xf32, #tpu.memory_space<vmem>> -> memref<1x400x64xf32, #tpu.memory_space<vmem>>
    %dma_start3A_114 = tpu.memref_squeeze %dma_start3A_113 : memref<1x400x64xf32, #tpu.memory_space<vmem>> -> memref<400x64xf32, #tpu.memory_space<vmem>>
    tpu.enqueue_dma source(%dma_start3A_114 : memref<400x64xf32, #tpu.memory_space<vmem>>) target(%dma_start3A_110 : memref<400x64xf32, #tpu.memory_space<hbm>>) target_semaphore(%dma_start3A_108 : memref<!tpu.dma_semaphore, #tpu.memory_space<semaphore_mem>>)
    %dma_wait3A_115 = arith.constant 2 : i32
    %dma_wait3A_116 = arith.constant 2 : i32
    %dma_wait3A_117 = arith.constant 0 : i32
    %dma_wait3A_118 = arith.constant 0 : i32
    %dma_wait3A_119 = tpu.memref_slice %arg6[%dma_wait3A_115, %dma_wait3A_117, %dma_wait3A_118] : memref<4x400x64xf32, #tpu.memory_space<vmem>> -> memref<1x400x64xf32, #tpu.memory_space<vmem>>
    %dma_wait3A_120 = tpu.memref_squeeze %dma_wait3A_119 : memref<1x400x64xf32, #tpu.memory_space<vmem>> -> memref<400x64xf32, #tpu.memory_space<vmem>>
    %dma_wait3A_121 = arith.constant 800 : i32
    %dma_wait3A_122 = tpu.memref_slice %arg5[%dma_wait3A_121] : memref<25600xi32, #tpu.memory_space<vmem>> -> memref<400xi32, #tpu.memory_space<vmem>>
    %dma_wait3A_123 = arith.constant 0 : i32
    %dma_wait3A_124 = arith.constant 0 : i32
    %dma_wait3A_125 = tpu.memref_slice %arg3[%dma_wait3A_123, %dma_wait3A_124] : memref<1000000x64xf32, #tpu.memory_space<hbm>> -> memref<1000000x64xf32, #tpu.memory_space<hbm>>
    %dma_wait3A_126 = tpu.memref_slice %arg7[%dma_wait3A_116] : memref<4x!tpu.dma_semaphore, #tpu.memory_space<semaphore_mem>> -> memref<1x!tpu.dma_semaphore, #tpu.memory_space<semaphore_mem>>
    %dma_wait3A_127 = tpu.memref_squeeze %dma_wait3A_126 : memref<1x!tpu.dma_semaphore, #tpu.memory_space<semaphore_mem>> -> memref<!tpu.dma_semaphore, #tpu.memory_space<semaphore_mem>>
    tpu.wait_indirect_dma semaphore(%dma_wait3A_127 : memref<!tpu.dma_semaphore, #tpu.memory_space<semaphore_mem>>) src(%dma_wait3A_125 : memref<1000000x64xf32, #tpu.memory_space<hbm>>) dst(%dma_wait3A_120 : memref<400x64xf32, #tpu.memory_space<vmem>>)
    %add3A_128 = arith.constant 800 : i32
    %add3A_129 = arith.addi %mul3A_2, %add3A_128 : i32
    %dma_start3A_130 = arith.constant 2 : i32
    %dma_start3A_131 = arith.constant 2 : i32
    %dma_start3A_132 = arith.constant 0 : i32
    %dma_start3A_133 = arith.constant 0 : i32
    %dma_start3A_134 = tpu.memref_slice %arg6[%dma_start3A_130, %dma_start3A_132, %dma_start3A_133] : memref<4x400x64xf32, #tpu.memory_space<vmem>> -> memref<1x400x64xf32, #tpu.memory_space<vmem>>
    %dma_start3A_135 = tpu.memref_squeeze %dma_start3A_134 : memref<1x400x64xf32, #tpu.memory_space<vmem>> -> memref<400x64xf32, #tpu.memory_space<vmem>>
    %dma_start3A_136 = arith.constant 0 : i32
    %dma_start3A_137 = tpu.memref_slice %arg4[%add3A_129, %dma_start3A_136] : memref<819200x64xf32, #tpu.memory_space<hbm>> -> memref<400x64xf32, #tpu.memory_space<hbm>>
    %dma_start3A_138 = tpu.memref_slice %arg8[%dma_start3A_131] : memref<4x!tpu.dma_semaphore, #tpu.memory_space<semaphore_mem>> -> memref<1x!tpu.dma_semaphore, #tpu.memory_space<semaphore_mem>>
    %dma_start3A_139 = tpu.memref_squeeze %dma_start3A_138 : memref<1x!tpu.dma_semaphore, #tpu.memory_space<semaphore_mem>> -> memref<!tpu.dma_semaphore, #tpu.memory_space<semaphore_mem>>
    %dma_start3A_140 = arith.constant 0 : i32
    %dma_start3A_141 = tpu.memref_slice %arg4[%add3A_129, %dma_start3A_140] : memref<819200x64xf32, #tpu.memory_space<hbm>> -> memref<400x64xf32, #tpu.memory_space<hbm>>
    %dma_start3A_142 = arith.constant 0 : i32
    %dma_start3A_143 = arith.constant 0 : i32
    %dma_start3A_144 = tpu.memref_slice %arg6[%dma_start3A_130, %dma_start3A_142, %dma_start3A_143] : memref<4x400x64xf32, #tpu.memory_space<vmem>> -> memref<1x400x64xf32, #tpu.memory_space<vmem>>
    %dma_start3A_145 = tpu.memref_squeeze %dma_start3A_144 : memref<1x400x64xf32, #tpu.memory_space<vmem>> -> memref<400x64xf32, #tpu.memory_space<vmem>>
    tpu.enqueue_dma source(%dma_start3A_145 : memref<400x64xf32, #tpu.memory_space<vmem>>) target(%dma_start3A_141 : memref<400x64xf32, #tpu.memory_space<hbm>>) target_semaphore(%dma_start3A_139 : memref<!tpu.dma_semaphore, #tpu.memory_space<semaphore_mem>>)
    %dma_wait3A_146 = arith.constant 3 : i32
    %dma_wait3A_147 = arith.constant 3 : i32
    %dma_wait3A_148 = arith.constant 0 : i32
    %dma_wait3A_149 = arith.constant 0 : i32
    %dma_wait3A_150 = tpu.memref_slice %arg6[%dma_wait3A_146, %dma_wait3A_148, %dma_wait3A_149] : memref<4x400x64xf32, #tpu.memory_space<vmem>> -> memref<1x400x64xf32, #tpu.memory_space<vmem>>
    %dma_wait3A_151 = tpu.memref_squeeze %dma_wait3A_150 : memref<1x400x64xf32, #tpu.memory_space<vmem>> -> memref<400x64xf32, #tpu.memory_space<vmem>>
    %dma_wait3A_152 = arith.constant 1200 : i32
    %dma_wait3A_153 = tpu.memref_slice %arg5[%dma_wait3A_152] : memref<25600xi32, #tpu.memory_space<vmem>> -> memref<400xi32, #tpu.memory_space<vmem>>
    %dma_wait3A_154 = arith.constant 0 : i32
    %dma_wait3A_155 = arith.constant 0 : i32
    %dma_wait3A_156 = tpu.memref_slice %arg3[%dma_wait3A_154, %dma_wait3A_155] : memref<1000000x64xf32, #tpu.memory_space<hbm>> -> memref<1000000x64xf32, #tpu.memory_space<hbm>>
    %dma_wait3A_157 = tpu.memref_slice %arg7[%dma_wait3A_147] : memref<4x!tpu.dma_semaphore, #tpu.memory_space<semaphore_mem>> -> memref<1x!tpu.dma_semaphore, #tpu.memory_space<semaphore_mem>>
    %dma_wait3A_158 = tpu.memref_squeeze %dma_wait3A_157 : memref<1x!tpu.dma_semaphore, #tpu.memory_space<semaphore_mem>> -> memref<!tpu.dma_semaphore, #tpu.memory_space<semaphore_mem>>
    tpu.wait_indirect_dma semaphore(%dma_wait3A_158 : memref<!tpu.dma_semaphore, #tpu.memory_space<semaphore_mem>>) src(%dma_wait3A_156 : memref<1000000x64xf32, #tpu.memory_space<hbm>>) dst(%dma_wait3A_151 : memref<400x64xf32, #tpu.memory_space<vmem>>)
    %add3A_159 = arith.constant 1200 : i32
    %add3A_160 = arith.addi %mul3A_2, %add3A_159 : i32
    %dma_start3A_161 = arith.constant 3 : i32
    %dma_start3A_162 = arith.constant 3 : i32
    %dma_start3A_163 = arith.constant 0 : i32
    %dma_start3A_164 = arith.constant 0 : i32
    %dma_start3A_165 = tpu.memref_slice %arg6[%dma_start3A_161, %dma_start3A_163, %dma_start3A_164] : memref<4x400x64xf32, #tpu.memory_space<vmem>> -> memref<1x400x64xf32, #tpu.memory_space<vmem>>
    %dma_start3A_166 = tpu.memref_squeeze %dma_start3A_165 : memref<1x400x64xf32, #tpu.memory_space<vmem>> -> memref<400x64xf32, #tpu.memory_space<vmem>>
    %dma_start3A_167 = arith.constant 0 : i32
    %dma_start3A_168 = tpu.memref_slice %arg4[%add3A_160, %dma_start3A_167] : memref<819200x64xf32, #tpu.memory_space<hbm>> -> memref<400x64xf32, #tpu.memory_space<hbm>>
    %dma_start3A_169 = tpu.memref_slice %arg8[%dma_start3A_162] : memref<4x!tpu.dma_semaphore, #tpu.memory_space<semaphore_mem>> -> memref<1x!tpu.dma_semaphore, #tpu.memory_space<semaphore_mem>>
    %dma_start3A_170 = tpu.memref_squeeze %dma_start3A_169 : memref<1x!tpu.dma_semaphore, #tpu.memory_space<semaphore_mem>> -> memref<!tpu.dma_semaphore, #tpu.memory_space<semaphore_mem>>
    %dma_start3A_171 = arith.constant 0 : i32
    %dma_start3A_172 = tpu.memref_slice %arg4[%add3A_160, %dma_start3A_171] : memref<819200x64xf32, #tpu.memory_space<hbm>> -> memref<400x64xf32, #tpu.memory_space<hbm>>
    %dma_start3A_173 = arith.constant 0 : i32
    %dma_start3A_174 = arith.constant 0 : i32
    %dma_start3A_175 = tpu.memref_slice %arg6[%dma_start3A_161, %dma_start3A_173, %dma_start3A_174] : memref<4x400x64xf32, #tpu.memory_space<vmem>> -> memref<1x400x64xf32, #tpu.memory_space<vmem>>
    %dma_start3A_176 = tpu.memref_squeeze %dma_start3A_175 : memref<1x400x64xf32, #tpu.memory_space<vmem>> -> memref<400x64xf32, #tpu.memory_space<vmem>>
    tpu.enqueue_dma source(%dma_start3A_176 : memref<400x64xf32, #tpu.memory_space<vmem>>) target(%dma_start3A_172 : memref<400x64xf32, #tpu.memory_space<hbm>>) target_semaphore(%dma_start3A_170 : memref<!tpu.dma_semaphore, #tpu.memory_space<semaphore_mem>>)
    %scan3A = arith.constant 0 : i32
    %scan3A_177 = arith.constant 1 : i32
    %scan3A_178 = arith.constant 15 : i32
    %scan3A_179 = arith.addi %scan3A_177, %scan3A_178 : i32
    %scan3A_180 = arith.constant 1 : i32
    scf.for %scan3A_254 = %scan3A_177 to %scan3A_179 step %scan3A_180  : i32 {
      %mul3A_255 = arith.constant 4 : i32
      %mul3A_256 = arith.muli %scan3A_254, %mul3A_255 : i32
      %add3A_257 = arith.constant 0 : i32
      %add3A_258 = arith.addi %mul3A_256, %add3A_257 : i32
      %sub3A = arith.constant 4 : i32
      %sub3A_259 = arith.subi %add3A_258, %sub3A : i32
      %mul3A_260 = arith.constant 400 : i32
      %mul3A_261 = arith.muli %sub3A_259, %mul3A_260 : i32
      %add3A_262 = arith.addi %mul3A_2, %mul3A_261 : i32
      %dma_wait3A_263 = arith.constant 0 : i32
      %dma_wait3A_264 = arith.constant 0 : i32
      %dma_wait3A_265 = arith.constant 0 : i32
      %dma_wait3A_266 = arith.constant 0 : i32
      %dma_wait3A_267 = tpu.memref_slice %arg6[%dma_wait3A_263, %dma_wait3A_265, %dma_wait3A_266] : memref<4x400x64xf32, #tpu.memory_space<vmem>> -> memref<1x400x64xf32, #tpu.memory_space<vmem>>
      %dma_wait3A_268 = tpu.memref_squeeze %dma_wait3A_267 : memref<1x400x64xf32, #tpu.memory_space<vmem>> -> memref<400x64xf32, #tpu.memory_space<vmem>>
      %dma_wait3A_269 = arith.constant 0 : i32
      %dma_wait3A_270 = tpu.memref_slice %arg4[%add3A_262, %dma_wait3A_269] : memref<819200x64xf32, #tpu.memory_space<hbm>> -> memref<400x64xf32, #tpu.memory_space<hbm>>
      %dma_wait3A_271 = tpu.memref_slice %arg8[%dma_wait3A_264] : memref<4x!tpu.dma_semaphore, #tpu.memory_space<semaphore_mem>> -> memref<1x!tpu.dma_semaphore, #tpu.memory_space<semaphore_mem>>
      %dma_wait3A_272 = tpu.memref_squeeze %dma_wait3A_271 : memref<1x!tpu.dma_semaphore, #tpu.memory_space<semaphore_mem>> -> memref<!tpu.dma_semaphore, #tpu.memory_space<semaphore_mem>>
      %dma_wait3A_273 = arith.constant 0 : i32
      %dma_wait3A_274 = tpu.memref_slice %arg4[%add3A_262, %dma_wait3A_273] : memref<819200x64xf32, #tpu.memory_space<hbm>> -> memref<400x64xf32, #tpu.memory_space<hbm>>
      %dma_wait3A_275 = arith.constant 0 : i32
      %dma_wait3A_276 = arith.constant 0 : i32
      %dma_wait3A_277 = tpu.memref_slice %arg6[%dma_wait3A_263, %dma_wait3A_275, %dma_wait3A_276] : memref<4x400x64xf32, #tpu.memory_space<vmem>> -> memref<1x400x64xf32, #tpu.memory_space<vmem>>
      %dma_wait3A_278 = tpu.memref_squeeze %dma_wait3A_277 : memref<1x400x64xf32, #tpu.memory_space<vmem>> -> memref<400x64xf32, #tpu.memory_space<vmem>>
      tpu.wait_dma2 semaphore(%dma_wait3A_272 : memref<!tpu.dma_semaphore, #tpu.memory_space<semaphore_mem>>) src(%dma_wait3A_278 : memref<400x64xf32, #tpu.memory_space<vmem>>) dst(%dma_wait3A_274 : memref<400x64xf32, #tpu.memory_space<hbm>>)
      %mul3A_279 = arith.constant 400 : i32
      %mul3A_280 = arith.muli %add3A_258, %mul3A_279 : i32
      %dma_start3A_281 = arith.constant 0 : i32
      %dma_start3A_282 = arith.constant 0 : i32
      %dma_start3A_283 = arith.constant 0 : i32
      %dma_start3A_284 = arith.constant 0 : i32
      %dma_start3A_285 = tpu.memref_slice %arg6[%dma_start3A_281, %dma_start3A_283, %dma_start3A_284] : memref<4x400x64xf32, #tpu.memory_space<vmem>> -> memref<1x400x64xf32, #tpu.memory_space<vmem>>
      %dma_start3A_286 = tpu.memref_squeeze %dma_start3A_285 : memref<1x400x64xf32, #tpu.memory_space<vmem>> -> memref<400x64xf32, #tpu.memory_space<vmem>>
      %dma_start3A_287 = tpu.memref_slice %arg5[%mul3A_280] : memref<25600xi32, #tpu.memory_space<vmem>> -> memref<400xi32, #tpu.memory_space<vmem>>
      %dma_start3A_288 = arith.constant 0 : i32
      %dma_start3A_289 = arith.constant 0 : i32
      %dma_start3A_290 = tpu.memref_slice %arg3[%dma_start3A_288, %dma_start3A_289] : memref<1000000x64xf32, #tpu.memory_space<hbm>> -> memref<1000000x64xf32, #tpu.memory_space<hbm>>
      %dma_start3A_291 = tpu.memref_slice %arg7[%dma_start3A_282] : memref<4x!tpu.dma_semaphore, #tpu.memory_space<semaphore_mem>> -> memref<1x!tpu.dma_semaphore, #tpu.memory_space<semaphore_mem>>
      %dma_start3A_292 = tpu.memref_squeeze %dma_start3A_291 : memref<1x!tpu.dma_semaphore, #tpu.memory_space<semaphore_mem>> -> memref<!tpu.dma_semaphore, #tpu.memory_space<semaphore_mem>>
      tpu.enqueue_indirect_dma source(%dma_start3A_290 : memref<1000000x64xf32, #tpu.memory_space<hbm>>) target(%dma_start3A_286 : memref<400x64xf32, #tpu.memory_space<vmem>>) offsets(%dma_start3A_287 : memref<400xi32, #tpu.memory_space<vmem>>) semaphore(%dma_start3A_292 : memref<!tpu.dma_semaphore, #tpu.memory_space<semaphore_mem>>)
      %mul3A_293 = arith.constant 4 : i32
      %mul3A_294 = arith.muli %scan3A_254, %mul3A_293 : i32
      %add3A_295 = arith.constant 1 : i32
      %add3A_296 = arith.addi %mul3A_294, %add3A_295 : i32
      %sub3A_297 = arith.constant 4 : i32
      %sub3A_298 = arith.subi %add3A_296, %sub3A_297 : i32
      %mul3A_299 = arith.constant 400 : i32
      %mul3A_300 = arith.muli %sub3A_298, %mul3A_299 : i32
      %add3A_301 = arith.addi %mul3A_2, %mul3A_300 : i32
      %dma_wait3A_302 = arith.constant 1 : i32
      %dma_wait3A_303 = arith.constant 1 : i32
      %dma_wait3A_304 = arith.constant 0 : i32
      %dma_wait3A_305 = arith.constant 0 : i32
      %dma_wait3A_306 = tpu.memref_slice %arg6[%dma_wait3A_302, %dma_wait3A_304, %dma_wait3A_305] : memref<4x400x64xf32, #tpu.memory_space<vmem>> -> memref<1x400x64xf32, #tpu.memory_space<vmem>>
      %dma_wait3A_307 = tpu.memref_squeeze %dma_wait3A_306 : memref<1x400x64xf32, #tpu.memory_space<vmem>> -> memref<400x64xf32, #tpu.memory_space<vmem>>
      %dma_wait3A_308 = arith.constant 0 : i32
      %dma_wait3A_309 = tpu.memref_slice %arg4[%add3A_301, %dma_wait3A_308] : memref<819200x64xf32, #tpu.memory_space<hbm>> -> memref<400x64xf32, #tpu.memory_space<hbm>>
      %dma_wait3A_310 = tpu.memref_slice %arg8[%dma_wait3A_303] : memref<4x!tpu.dma_semaphore, #tpu.memory_space<semaphore_mem>> -> memref<1x!tpu.dma_semaphore, #tpu.memory_space<semaphore_mem>>
      %dma_wait3A_311 = tpu.memref_squeeze %dma_wait3A_310 : memref<1x!tpu.dma_semaphore, #tpu.memory_space<semaphore_mem>> -> memref<!tpu.dma_semaphore, #tpu.memory_space<semaphore_mem>>
      %dma_wait3A_312 = arith.constant 0 : i32
      %dma_wait3A_313 = tpu.memref_slice %arg4[%add3A_301, %dma_wait3A_312] : memref<819200x64xf32, #tpu.memory_space<hbm>> -> memref<400x64xf32, #tpu.memory_space<hbm>>
      %dma_wait3A_314 = arith.constant 0 : i32
      %dma_wait3A_315 = arith.constant 0 : i32
      %dma_wait3A_316 = tpu.memref_slice %arg6[%dma_wait3A_302, %dma_wait3A_314, %dma_wait3A_315] : memref<4x400x64xf32, #tpu.memory_space<vmem>> -> memref<1x400x64xf32, #tpu.memory_space<vmem>>
      %dma_wait3A_317 = tpu.memref_squeeze %dma_wait3A_316 : memref<1x400x64xf32, #tpu.memory_space<vmem>> -> memref<400x64xf32, #tpu.memory_space<vmem>>
      tpu.wait_dma2 semaphore(%dma_wait3A_311 : memref<!tpu.dma_semaphore, #tpu.memory_space<semaphore_mem>>) src(%dma_wait3A_317 : memref<400x64xf32, #tpu.memory_space<vmem>>) dst(%dma_wait3A_313 : memref<400x64xf32, #tpu.memory_space<hbm>>)
      %mul3A_318 = arith.constant 400 : i32
      %mul3A_319 = arith.muli %add3A_296, %mul3A_318 : i32
      %dma_start3A_320 = arith.constant 1 : i32
      %dma_start3A_321 = arith.constant 1 : i32
      %dma_start3A_322 = arith.constant 0 : i32
      %dma_start3A_323 = arith.constant 0 : i32
      %dma_start3A_324 = tpu.memref_slice %arg6[%dma_start3A_320, %dma_start3A_322, %dma_start3A_323] : memref<4x400x64xf32, #tpu.memory_space<vmem>> -> memref<1x400x64xf32, #tpu.memory_space<vmem>>
      %dma_start3A_325 = tpu.memref_squeeze %dma_start3A_324 : memref<1x400x64xf32, #tpu.memory_space<vmem>> -> memref<400x64xf32, #tpu.memory_space<vmem>>
      %dma_start3A_326 = tpu.memref_slice %arg5[%mul3A_319] : memref<25600xi32, #tpu.memory_space<vmem>> -> memref<400xi32, #tpu.memory_space<vmem>>
      %dma_start3A_327 = arith.constant 0 : i32
      %dma_start3A_328 = arith.constant 0 : i32
      %dma_start3A_329 = tpu.memref_slice %arg3[%dma_start3A_327, %dma_start3A_328] : memref<1000000x64xf32, #tpu.memory_space<hbm>> -> memref<1000000x64xf32, #tpu.memory_space<hbm>>
      %dma_start3A_330 = tpu.memref_slice %arg7[%dma_start3A_321] : memref<4x!tpu.dma_semaphore, #tpu.memory_space<semaphore_mem>> -> memref<1x!tpu.dma_semaphore, #tpu.memory_space<semaphore_mem>>
      %dma_start3A_331 = tpu.memref_squeeze %dma_start3A_330 : memref<1x!tpu.dma_semaphore, #tpu.memory_space<semaphore_mem>> -> memref<!tpu.dma_semaphore, #tpu.memory_space<semaphore_mem>>
      tpu.enqueue_indirect_dma source(%dma_start3A_329 : memref<1000000x64xf32, #tpu.memory_space<hbm>>) target(%dma_start3A_325 : memref<400x64xf32, #tpu.memory_space<vmem>>) offsets(%dma_start3A_326 : memref<400xi32, #tpu.memory_space<vmem>>) semaphore(%dma_start3A_331 : memref<!tpu.dma_semaphore, #tpu.memory_space<semaphore_mem>>)
      %mul3A_332 = arith.constant 4 : i32
      %mul3A_333 = arith.muli %scan3A_254, %mul3A_332 : i32
      %add3A_334 = arith.constant 2 : i32
      %add3A_335 = arith.addi %mul3A_333, %add3A_334 : i32
      %sub3A_336 = arith.constant 4 : i32
      %sub3A_337 = arith.subi %add3A_335, %sub3A_336 : i32
      %mul3A_338 = arith.constant 400 : i32
      %mul3A_339 = arith.muli %sub3A_337, %mul3A_338 : i32
      %add3A_340 = arith.addi %mul3A_2, %mul3A_339 : i32
      %dma_wait3A_341 = arith.constant 2 : i32
      %dma_wait3A_342 = arith.constant 2 : i32
      %dma_wait3A_343 = arith.constant 0 : i32
      %dma_wait3A_344 = arith.constant 0 : i32
      %dma_wait3A_345 = tpu.memref_slice %arg6[%dma_wait3A_341, %dma_wait3A_343, %dma_wait3A_344] : memref<4x400x64xf32, #tpu.memory_space<vmem>> -> memref<1x400x64xf32, #tpu.memory_space<vmem>>
      %dma_wait3A_346 = tpu.memref_squeeze %dma_wait3A_345 : memref<1x400x64xf32, #tpu.memory_space<vmem>> -> memref<400x64xf32, #tpu.memory_space<vmem>>
      %dma_wait3A_347 = arith.constant 0 : i32
      %dma_wait3A_348 = tpu.memref_slice %arg4[%add3A_340, %dma_wait3A_347] : memref<819200x64xf32, #tpu.memory_space<hbm>> -> memref<400x64xf32, #tpu.memory_space<hbm>>
      %dma_wait3A_349 = tpu.memref_slice %arg8[%dma_wait3A_342] : memref<4x!tpu.dma_semaphore, #tpu.memory_space<semaphore_mem>> -> memref<1x!tpu.dma_semaphore, #tpu.memory_space<semaphore_mem>>
      %dma_wait3A_350 = tpu.memref_squeeze %dma_wait3A_349 : memref<1x!tpu.dma_semaphore, #tpu.memory_space<semaphore_mem>> -> memref<!tpu.dma_semaphore, #tpu.memory_space<semaphore_mem>>
      %dma_wait3A_351 = arith.constant 0 : i32
      %dma_wait3A_352 = tpu.memref_slice %arg4[%add3A_340, %dma_wait3A_351] : memref<819200x64xf32, #tpu.memory_space<hbm>> -> memref<400x64xf32, #tpu.memory_space<hbm>>
      %dma_wait3A_353 = arith.constant 0 : i32
      %dma_wait3A_354 = arith.constant 0 : i32
      %dma_wait3A_355 = tpu.memref_slice %arg6[%dma_wait3A_341, %dma_wait3A_353, %dma_wait3A_354] : memref<4x400x64xf32, #tpu.memory_space<vmem>> -> memref<1x400x64xf32, #tpu.memory_space<vmem>>
      %dma_wait3A_356 = tpu.memref_squeeze %dma_wait3A_355 : memref<1x400x64xf32, #tpu.memory_space<vmem>> -> memref<400x64xf32, #tpu.memory_space<vmem>>
      tpu.wait_dma2 semaphore(%dma_wait3A_350 : memref<!tpu.dma_semaphore, #tpu.memory_space<semaphore_mem>>) src(%dma_wait3A_356 : memref<400x64xf32, #tpu.memory_space<vmem>>) dst(%dma_wait3A_352 : memref<400x64xf32, #tpu.memory_space<hbm>>)
      %mul3A_357 = arith.constant 400 : i32
      %mul3A_358 = arith.muli %add3A_335, %mul3A_357 : i32
      %dma_start3A_359 = arith.constant 2 : i32
      %dma_start3A_360 = arith.constant 2 : i32
      %dma_start3A_361 = arith.constant 0 : i32
      %dma_start3A_362 = arith.constant 0 : i32
      %dma_start3A_363 = tpu.memref_slice %arg6[%dma_start3A_359, %dma_start3A_361, %dma_start3A_362] : memref<4x400x64xf32, #tpu.memory_space<vmem>> -> memref<1x400x64xf32, #tpu.memory_space<vmem>>
      %dma_start3A_364 = tpu.memref_squeeze %dma_start3A_363 : memref<1x400x64xf32, #tpu.memory_space<vmem>> -> memref<400x64xf32, #tpu.memory_space<vmem>>
      %dma_start3A_365 = tpu.memref_slice %arg5[%mul3A_358] : memref<25600xi32, #tpu.memory_space<vmem>> -> memref<400xi32, #tpu.memory_space<vmem>>
      %dma_start3A_366 = arith.constant 0 : i32
      %dma_start3A_367 = arith.constant 0 : i32
      %dma_start3A_368 = tpu.memref_slice %arg3[%dma_start3A_366, %dma_start3A_367] : memref<1000000x64xf32, #tpu.memory_space<hbm>> -> memref<1000000x64xf32, #tpu.memory_space<hbm>>
      %dma_start3A_369 = tpu.memref_slice %arg7[%dma_start3A_360] : memref<4x!tpu.dma_semaphore, #tpu.memory_space<semaphore_mem>> -> memref<1x!tpu.dma_semaphore, #tpu.memory_space<semaphore_mem>>
      %dma_start3A_370 = tpu.memref_squeeze %dma_start3A_369 : memref<1x!tpu.dma_semaphore, #tpu.memory_space<semaphore_mem>> -> memref<!tpu.dma_semaphore, #tpu.memory_space<semaphore_mem>>
      tpu.enqueue_indirect_dma source(%dma_start3A_368 : memref<1000000x64xf32, #tpu.memory_space<hbm>>) target(%dma_start3A_364 : memref<400x64xf32, #tpu.memory_space<vmem>>) offsets(%dma_start3A_365 : memref<400xi32, #tpu.memory_space<vmem>>) semaphore(%dma_start3A_370 : memref<!tpu.dma_semaphore, #tpu.memory_space<semaphore_mem>>)
      %mul3A_371 = arith.constant 4 : i32
      %mul3A_372 = arith.muli %scan3A_254, %mul3A_371 : i32
      %add3A_373 = arith.constant 3 : i32
      %add3A_374 = arith.addi %mul3A_372, %add3A_373 : i32
      %sub3A_375 = arith.constant 4 : i32
      %sub3A_376 = arith.subi %add3A_374, %sub3A_375 : i32
      %mul3A_377 = arith.constant 400 : i32
      %mul3A_378 = arith.muli %sub3A_376, %mul3A_377 : i32
      %add3A_379 = arith.addi %mul3A_2, %mul3A_378 : i32
      %dma_wait3A_380 = arith.constant 3 : i32
      %dma_wait3A_381 = arith.constant 3 : i32
      %dma_wait3A_382 = arith.constant 0 : i32
      %dma_wait3A_383 = arith.constant 0 : i32
      %dma_wait3A_384 = tpu.memref_slice %arg6[%dma_wait3A_380, %dma_wait3A_382, %dma_wait3A_383] : memref<4x400x64xf32, #tpu.memory_space<vmem>> -> memref<1x400x64xf32, #tpu.memory_space<vmem>>
      %dma_wait3A_385 = tpu.memref_squeeze %dma_wait3A_384 : memref<1x400x64xf32, #tpu.memory_space<vmem>> -> memref<400x64xf32, #tpu.memory_space<vmem>>
      %dma_wait3A_386 = arith.constant 0 : i32
      %dma_wait3A_387 = tpu.memref_slice %arg4[%add3A_379, %dma_wait3A_386] : memref<819200x64xf32, #tpu.memory_space<hbm>> -> memref<400x64xf32, #tpu.memory_space<hbm>>
      %dma_wait3A_388 = tpu.memref_slice %arg8[%dma_wait3A_381] : memref<4x!tpu.dma_semaphore, #tpu.memory_space<semaphore_mem>> -> memref<1x!tpu.dma_semaphore, #tpu.memory_space<semaphore_mem>>
      %dma_wait3A_389 = tpu.memref_squeeze %dma_wait3A_388 : memref<1x!tpu.dma_semaphore, #tpu.memory_space<semaphore_mem>> -> memref<!tpu.dma_semaphore, #tpu.memory_space<semaphore_mem>>
      %dma_wait3A_390 = arith.constant 0 : i32
      %dma_wait3A_391 = tpu.memref_slice %arg4[%add3A_379, %dma_wait3A_390] : memref<819200x64xf32, #tpu.memory_space<hbm>> -> memref<400x64xf32, #tpu.memory_space<hbm>>
      %dma_wait3A_392 = arith.constant 0 : i32
      %dma_wait3A_393 = arith.constant 0 : i32
      %dma_wait3A_394 = tpu.memref_slice %arg6[%dma_wait3A_380, %dma_wait3A_392, %dma_wait3A_393] : memref<4x400x64xf32, #tpu.memory_space<vmem>> -> memref<1x400x64xf32, #tpu.memory_space<vmem>>
      %dma_wait3A_395 = tpu.memref_squeeze %dma_wait3A_394 : memref<1x400x64xf32, #tpu.memory_space<vmem>> -> memref<400x64xf32, #tpu.memory_space<vmem>>
      tpu.wait_dma2 semaphore(%dma_wait3A_389 : memref<!tpu.dma_semaphore, #tpu.memory_space<semaphore_mem>>) src(%dma_wait3A_395 : memref<400x64xf32, #tpu.memory_space<vmem>>) dst(%dma_wait3A_391 : memref<400x64xf32, #tpu.memory_space<hbm>>)
      %mul3A_396 = arith.constant 400 : i32
      %mul3A_397 = arith.muli %add3A_374, %mul3A_396 : i32
      %dma_start3A_398 = arith.constant 3 : i32
      %dma_start3A_399 = arith.constant 3 : i32
      %dma_start3A_400 = arith.constant 0 : i32
      %dma_start3A_401 = arith.constant 0 : i32
      %dma_start3A_402 = tpu.memref_slice %arg6[%dma_start3A_398, %dma_start3A_400, %dma_start3A_401] : memref<4x400x64xf32, #tpu.memory_space<vmem>> -> memref<1x400x64xf32, #tpu.memory_space<vmem>>
      %dma_start3A_403 = tpu.memref_squeeze %dma_start3A_402 : memref<1x400x64xf32, #tpu.memory_space<vmem>> -> memref<400x64xf32, #tpu.memory_space<vmem>>
      %dma_start3A_404 = tpu.memref_slice %arg5[%mul3A_397] : memref<25600xi32, #tpu.memory_space<vmem>> -> memref<400xi32, #tpu.memory_space<vmem>>
      %dma_start3A_405 = arith.constant 0 : i32
      %dma_start3A_406 = arith.constant 0 : i32
      %dma_start3A_407 = tpu.memref_slice %arg3[%dma_start3A_405, %dma_start3A_406] : memref<1000000x64xf32, #tpu.memory_space<hbm>> -> memref<1000000x64xf32, #tpu.memory_space<hbm>>
      %dma_start3A_408 = tpu.memref_slice %arg7[%dma_start3A_399] : memref<4x!tpu.dma_semaphore, #tpu.memory_space<semaphore_mem>> -> memref<1x!tpu.dma_semaphore, #tpu.memory_space<semaphore_mem>>
      %dma_start3A_409 = tpu.memref_squeeze %dma_start3A_408 : memref<1x!tpu.dma_semaphore, #tpu.memory_space<semaphore_mem>> -> memref<!tpu.dma_semaphore, #tpu.memory_space<semaphore_mem>>
      tpu.enqueue_indirect_dma source(%dma_start3A_407 : memref<1000000x64xf32, #tpu.memory_space<hbm>>) target(%dma_start3A_403 : memref<400x64xf32, #tpu.memory_space<vmem>>) offsets(%dma_start3A_404 : memref<400xi32, #tpu.memory_space<vmem>>) semaphore(%dma_start3A_409 : memref<!tpu.dma_semaphore, #tpu.memory_space<semaphore_mem>>)
      %mul3A_410 = arith.constant 4 : i32
      %mul3A_411 = arith.muli %scan3A_254, %mul3A_410 : i32
      %add3A_412 = arith.constant 0 : i32
      %add3A_413 = arith.addi %mul3A_411, %add3A_412 : i32
      %mul3A_414 = arith.constant 400 : i32
      %mul3A_415 = arith.muli %add3A_413, %mul3A_414 : i32
      %dma_wait3A_416 = arith.constant 0 : i32
      %dma_wait3A_417 = arith.constant 0 : i32
      %dma_wait3A_418 = arith.constant 0 : i32
      %dma_wait3A_419 = arith.constant 0 : i32
      %dma_wait3A_420 = tpu.memref_slice %arg6[%dma_wait3A_416, %dma_wait3A_418, %dma_wait3A_419] : memref<4x400x64xf32, #tpu.memory_space<vmem>> -> memref<1x400x64xf32, #tpu.memory_space<vmem>>
      %dma_wait3A_421 = tpu.memref_squeeze %dma_wait3A_420 : memref<1x400x64xf32, #tpu.memory_space<vmem>> -> memref<400x64xf32, #tpu.memory_space<vmem>>
      %dma_wait3A_422 = tpu.memref_slice %arg5[%mul3A_415] : memref<25600xi32, #tpu.memory_space<vmem>> -> memref<400xi32, #tpu.memory_space<vmem>>
      %dma_wait3A_423 = arith.constant 0 : i32
      %dma_wait3A_424 = arith.constant 0 : i32
      %dma_wait3A_425 = tpu.memref_slice %arg3[%dma_wait3A_423, %dma_wait3A_424] : memref<1000000x64xf32, #tpu.memory_space<hbm>> -> memref<1000000x64xf32, #tpu.memory_space<hbm>>
      %dma_wait3A_426 = tpu.memref_slice %arg7[%dma_wait3A_417] : memref<4x!tpu.dma_semaphore, #tpu.memory_space<semaphore_mem>> -> memref<1x!tpu.dma_semaphore, #tpu.memory_space<semaphore_mem>>
      %dma_wait3A_427 = tpu.memref_squeeze %dma_wait3A_426 : memref<1x!tpu.dma_semaphore, #tpu.memory_space<semaphore_mem>> -> memref<!tpu.dma_semaphore, #tpu.memory_space<semaphore_mem>>
      tpu.wait_indirect_dma semaphore(%dma_wait3A_427 : memref<!tpu.dma_semaphore, #tpu.memory_space<semaphore_mem>>) src(%dma_wait3A_425 : memref<1000000x64xf32, #tpu.memory_space<hbm>>) dst(%dma_wait3A_421 : memref<400x64xf32, #tpu.memory_space<vmem>>)
      %mul3A_428 = arith.constant 400 : i32
      %mul3A_429 = arith.muli %add3A_413, %mul3A_428 : i32
      %add3A_430 = arith.addi %mul3A_2, %mul3A_429 : i32
      %dma_start3A_431 = arith.constant 0 : i32
      %dma_start3A_432 = arith.constant 0 : i32
      %dma_start3A_433 = arith.constant 0 : i32
      %dma_start3A_434 = arith.constant 0 : i32
      %dma_start3A_435 = tpu.memref_slice %arg6[%dma_start3A_431, %dma_start3A_433, %dma_start3A_434] : memref<4x400x64xf32, #tpu.memory_space<vmem>> -> memref<1x400x64xf32, #tpu.memory_space<vmem>>
      %dma_start3A_436 = tpu.memref_squeeze %dma_start3A_435 : memref<1x400x64xf32, #tpu.memory_space<vmem>> -> memref<400x64xf32, #tpu.memory_space<vmem>>
      %dma_start3A_437 = arith.constant 0 : i32
      %dma_start3A_438 = tpu.memref_slice %arg4[%add3A_430, %dma_start3A_437] : memref<819200x64xf32, #tpu.memory_space<hbm>> -> memref<400x64xf32, #tpu.memory_space<hbm>>
      %dma_start3A_439 = tpu.memref_slice %arg8[%dma_start3A_432] : memref<4x!tpu.dma_semaphore, #tpu.memory_space<semaphore_mem>> -> memref<1x!tpu.dma_semaphore, #tpu.memory_space<semaphore_mem>>
      %dma_start3A_440 = tpu.memref_squeeze %dma_start3A_439 : memref<1x!tpu.dma_semaphore, #tpu.memory_space<semaphore_mem>> -> memref<!tpu.dma_semaphore, #tpu.memory_space<semaphore_mem>>
      %dma_start3A_441 = arith.constant 0 : i32
      %dma_start3A_442 = tpu.memref_slice %arg4[%add3A_430, %dma_start3A_441] : memref<819200x64xf32, #tpu.memory_space<hbm>> -> memref<400x64xf32, #tpu.memory_space<hbm>>
      %dma_start3A_443 = arith.constant 0 : i32
      %dma_start3A_444 = arith.constant 0 : i32
      %dma_start3A_445 = tpu.memref_slice %arg6[%dma_start3A_431, %dma_start3A_443, %dma_start3A_444] : memref<4x400x64xf32, #tpu.memory_space<vmem>> -> memref<1x400x64xf32, #tpu.memory_space<vmem>>
      %dma_start3A_446 = tpu.memref_squeeze %dma_start3A_445 : memref<1x400x64xf32, #tpu.memory_space<vmem>> -> memref<400x64xf32, #tpu.memory_space<vmem>>
      tpu.enqueue_dma source(%dma_start3A_446 : memref<400x64xf32, #tpu.memory_space<vmem>>) target(%dma_start3A_442 : memref<400x64xf32, #tpu.memory_space<hbm>>) target_semaphore(%dma_start3A_440 : memref<!tpu.dma_semaphore, #tpu.memory_space<semaphore_mem>>)
      %mul3A_447 = arith.constant 4 : i32
      %mul3A_448 = arith.muli %scan3A_254, %mul3A_447 : i32
      %add3A_449 = arith.constant 1 : i32
      %add3A_450 = arith.addi %mul3A_448, %add3A_449 : i32
      %mul3A_451 = arith.constant 400 : i32
      %mul3A_452 = arith.muli %add3A_450, %mul3A_451 : i32
      %dma_wait3A_453 = arith.constant 1 : i32
      %dma_wait3A_454 = arith.constant 1 : i32
      %dma_wait3A_455 = arith.constant 0 : i32
      %dma_wait3A_456 = arith.constant 0 : i32
      %dma_wait3A_457 = tpu.memref_slice %arg6[%dma_wait3A_453, %dma_wait3A_455, %dma_wait3A_456] : memref<4x400x64xf32, #tpu.memory_space<vmem>> -> memref<1x400x64xf32, #tpu.memory_space<vmem>>
      %dma_wait3A_458 = tpu.memref_squeeze %dma_wait3A_457 : memref<1x400x64xf32, #tpu.memory_space<vmem>> -> memref<400x64xf32, #tpu.memory_space<vmem>>
      %dma_wait3A_459 = tpu.memref_slice %arg5[%mul3A_452] : memref<25600xi32, #tpu.memory_space<vmem>> -> memref<400xi32, #tpu.memory_space<vmem>>
      %dma_wait3A_460 = arith.constant 0 : i32
      %dma_wait3A_461 = arith.constant 0 : i32
      %dma_wait3A_462 = tpu.memref_slice %arg3[%dma_wait3A_460, %dma_wait3A_461] : memref<1000000x64xf32, #tpu.memory_space<hbm>> -> memref<1000000x64xf32, #tpu.memory_space<hbm>>
      %dma_wait3A_463 = tpu.memref_slice %arg7[%dma_wait3A_454] : memref<4x!tpu.dma_semaphore, #tpu.memory_space<semaphore_mem>> -> memref<1x!tpu.dma_semaphore, #tpu.memory_space<semaphore_mem>>
      %dma_wait3A_464 = tpu.memref_squeeze %dma_wait3A_463 : memref<1x!tpu.dma_semaphore, #tpu.memory_space<semaphore_mem>> -> memref<!tpu.dma_semaphore, #tpu.memory_space<semaphore_mem>>
      tpu.wait_indirect_dma semaphore(%dma_wait3A_464 : memref<!tpu.dma_semaphore, #tpu.memory_space<semaphore_mem>>) src(%dma_wait3A_462 : memref<1000000x64xf32, #tpu.memory_space<hbm>>) dst(%dma_wait3A_458 : memref<400x64xf32, #tpu.memory_space<vmem>>)
      %mul3A_465 = arith.constant 400 : i32
      %mul3A_466 = arith.muli %add3A_450, %mul3A_465 : i32
      %add3A_467 = arith.addi %mul3A_2, %mul3A_466 : i32
      %dma_start3A_468 = arith.constant 1 : i32
      %dma_start3A_469 = arith.constant 1 : i32
      %dma_start3A_470 = arith.constant 0 : i32
      %dma_start3A_471 = arith.constant 0 : i32
      %dma_start3A_472 = tpu.memref_slice %arg6[%dma_start3A_468, %dma_start3A_470, %dma_start3A_471] : memref<4x400x64xf32, #tpu.memory_space<vmem>> -> memref<1x400x64xf32, #tpu.memory_space<vmem>>
      %dma_start3A_473 = tpu.memref_squeeze %dma_start3A_472 : memref<1x400x64xf32, #tpu.memory_space<vmem>> -> memref<400x64xf32, #tpu.memory_space<vmem>>
      %dma_start3A_474 = arith.constant 0 : i32
      %dma_start3A_475 = tpu.memref_slice %arg4[%add3A_467, %dma_start3A_474] : memref<819200x64xf32, #tpu.memory_space<hbm>> -> memref<400x64xf32, #tpu.memory_space<hbm>>
      %dma_start3A_476 = tpu.memref_slice %arg8[%dma_start3A_469] : memref<4x!tpu.dma_semaphore, #tpu.memory_space<semaphore_mem>> -> memref<1x!tpu.dma_semaphore, #tpu.memory_space<semaphore_mem>>
      %dma_start3A_477 = tpu.memref_squeeze %dma_start3A_476 : memref<1x!tpu.dma_semaphore, #tpu.memory_space<semaphore_mem>> -> memref<!tpu.dma_semaphore, #tpu.memory_space<semaphore_mem>>
      %dma_start3A_478 = arith.constant 0 : i32
      %dma_start3A_479 = tpu.memref_slice %arg4[%add3A_467, %dma_start3A_478] : memref<819200x64xf32, #tpu.memory_space<hbm>> -> memref<400x64xf32, #tpu.memory_space<hbm>>
      %dma_start3A_480 = arith.constant 0 : i32
      %dma_start3A_481 = arith.constant 0 : i32
      %dma_start3A_482 = tpu.memref_slice %arg6[%dma_start3A_468, %dma_start3A_480, %dma_start3A_481] : memref<4x400x64xf32, #tpu.memory_space<vmem>> -> memref<1x400x64xf32, #tpu.memory_space<vmem>>
      %dma_start3A_483 = tpu.memref_squeeze %dma_start3A_482 : memref<1x400x64xf32, #tpu.memory_space<vmem>> -> memref<400x64xf32, #tpu.memory_space<vmem>>
      tpu.enqueue_dma source(%dma_start3A_483 : memref<400x64xf32, #tpu.memory_space<vmem>>) target(%dma_start3A_479 : memref<400x64xf32, #tpu.memory_space<hbm>>) target_semaphore(%dma_start3A_477 : memref<!tpu.dma_semaphore, #tpu.memory_space<semaphore_mem>>)
      %mul3A_484 = arith.constant 4 : i32
      %mul3A_485 = arith.muli %scan3A_254, %mul3A_484 : i32
      %add3A_486 = arith.constant 2 : i32
      %add3A_487 = arith.addi %mul3A_485, %add3A_486 : i32
      %mul3A_488 = arith.constant 400 : i32
      %mul3A_489 = arith.muli %add3A_487, %mul3A_488 : i32
      %dma_wait3A_490 = arith.constant 2 : i32
      %dma_wait3A_491 = arith.constant 2 : i32
      %dma_wait3A_492 = arith.constant 0 : i32
      %dma_wait3A_493 = arith.constant 0 : i32
      %dma_wait3A_494 = tpu.memref_slice %arg6[%dma_wait3A_490, %dma_wait3A_492, %dma_wait3A_493] : memref<4x400x64xf32, #tpu.memory_space<vmem>> -> memref<1x400x64xf32, #tpu.memory_space<vmem>>
      %dma_wait3A_495 = tpu.memref_squeeze %dma_wait3A_494 : memref<1x400x64xf32, #tpu.memory_space<vmem>> -> memref<400x64xf32, #tpu.memory_space<vmem>>
      %dma_wait3A_496 = tpu.memref_slice %arg5[%mul3A_489] : memref<25600xi32, #tpu.memory_space<vmem>> -> memref<400xi32, #tpu.memory_space<vmem>>
      %dma_wait3A_497 = arith.constant 0 : i32
      %dma_wait3A_498 = arith.constant 0 : i32
      %dma_wait3A_499 = tpu.memref_slice %arg3[%dma_wait3A_497, %dma_wait3A_498] : memref<1000000x64xf32, #tpu.memory_space<hbm>> -> memref<1000000x64xf32, #tpu.memory_space<hbm>>
      %dma_wait3A_500 = tpu.memref_slice %arg7[%dma_wait3A_491] : memref<4x!tpu.dma_semaphore, #tpu.memory_space<semaphore_mem>> -> memref<1x!tpu.dma_semaphore, #tpu.memory_space<semaphore_mem>>
      %dma_wait3A_501 = tpu.memref_squeeze %dma_wait3A_500 : memref<1x!tpu.dma_semaphore, #tpu.memory_space<semaphore_mem>> -> memref<!tpu.dma_semaphore, #tpu.memory_space<semaphore_mem>>
      tpu.wait_indirect_dma semaphore(%dma_wait3A_501 : memref<!tpu.dma_semaphore, #tpu.memory_space<semaphore_mem>>) src(%dma_wait3A_499 : memref<1000000x64xf32, #tpu.memory_space<hbm>>) dst(%dma_wait3A_495 : memref<400x64xf32, #tpu.memory_space<vmem>>)
      %mul3A_502 = arith.constant 400 : i32
      %mul3A_503 = arith.muli %add3A_487, %mul3A_502 : i32
      %add3A_504 = arith.addi %mul3A_2, %mul3A_503 : i32
      %dma_start3A_505 = arith.constant 2 : i32
      %dma_start3A_506 = arith.constant 2 : i32
      %dma_start3A_507 = arith.constant 0 : i32
      %dma_start3A_508 = arith.constant 0 : i32
      %dma_start3A_509 = tpu.memref_slice %arg6[%dma_start3A_505, %dma_start3A_507, %dma_start3A_508] : memref<4x400x64xf32, #tpu.memory_space<vmem>> -> memref<1x400x64xf32, #tpu.memory_space<vmem>>
      %dma_start3A_510 = tpu.memref_squeeze %dma_start3A_509 : memref<1x400x64xf32, #tpu.memory_space<vmem>> -> memref<400x64xf32, #tpu.memory_space<vmem>>
      %dma_start3A_511 = arith.constant 0 : i32
      %dma_start3A_512 = tpu.memref_slice %arg4[%add3A_504, %dma_start3A_511] : memref<819200x64xf32, #tpu.memory_space<hbm>> -> memref<400x64xf32, #tpu.memory_space<hbm>>
      %dma_start3A_513 = tpu.memref_slice %arg8[%dma_start3A_506] : memref<4x!tpu.dma_semaphore, #tpu.memory_space<semaphore_mem>> -> memref<1x!tpu.dma_semaphore, #tpu.memory_space<semaphore_mem>>
      %dma_start3A_514 = tpu.memref_squeeze %dma_start3A_513 : memref<1x!tpu.dma_semaphore, #tpu.memory_space<semaphore_mem>> -> memref<!tpu.dma_semaphore, #tpu.memory_space<semaphore_mem>>
      %dma_start3A_515 = arith.constant 0 : i32
      %dma_start3A_516 = tpu.memref_slice %arg4[%add3A_504, %dma_start3A_515] : memref<819200x64xf32, #tpu.memory_space<hbm>> -> memref<400x64xf32, #tpu.memory_space<hbm>>
      %dma_start3A_517 = arith.constant 0 : i32
      %dma_start3A_518 = arith.constant 0 : i32
      %dma_start3A_519 = tpu.memref_slice %arg6[%dma_start3A_505, %dma_start3A_517, %dma_start3A_518] : memref<4x400x64xf32, #tpu.memory_space<vmem>> -> memref<1x400x64xf32, #tpu.memory_space<vmem>>
      %dma_start3A_520 = tpu.memref_squeeze %dma_start3A_519 : memref<1x400x64xf32, #tpu.memory_space<vmem>> -> memref<400x64xf32, #tpu.memory_space<vmem>>
      tpu.enqueue_dma source(%dma_start3A_520 : memref<400x64xf32, #tpu.memory_space<vmem>>) target(%dma_start3A_516 : memref<400x64xf32, #tpu.memory_space<hbm>>) target_semaphore(%dma_start3A_514 : memref<!tpu.dma_semaphore, #tpu.memory_space<semaphore_mem>>)
      %mul3A_521 = arith.constant 4 : i32
      %mul3A_522 = arith.muli %scan3A_254, %mul3A_521 : i32
      %add3A_523 = arith.constant 3 : i32
      %add3A_524 = arith.addi %mul3A_522, %add3A_523 : i32
      %mul3A_525 = arith.constant 400 : i32
      %mul3A_526 = arith.muli %add3A_524, %mul3A_525 : i32
      %dma_wait3A_527 = arith.constant 3 : i32
      %dma_wait3A_528 = arith.constant 3 : i32
      %dma_wait3A_529 = arith.constant 0 : i32
      %dma_wait3A_530 = arith.constant 0 : i32
      %dma_wait3A_531 = tpu.memref_slice %arg6[%dma_wait3A_527, %dma_wait3A_529, %dma_wait3A_530] : memref<4x400x64xf32, #tpu.memory_space<vmem>> -> memref<1x400x64xf32, #tpu.memory_space<vmem>>
      %dma_wait3A_532 = tpu.memref_squeeze %dma_wait3A_531 : memref<1x400x64xf32, #tpu.memory_space<vmem>> -> memref<400x64xf32, #tpu.memory_space<vmem>>
      %dma_wait3A_533 = tpu.memref_slice %arg5[%mul3A_526] : memref<25600xi32, #tpu.memory_space<vmem>> -> memref<400xi32, #tpu.memory_space<vmem>>
      %dma_wait3A_534 = arith.constant 0 : i32
      %dma_wait3A_535 = arith.constant 0 : i32
      %dma_wait3A_536 = tpu.memref_slice %arg3[%dma_wait3A_534, %dma_wait3A_535] : memref<1000000x64xf32, #tpu.memory_space<hbm>> -> memref<1000000x64xf32, #tpu.memory_space<hbm>>
      %dma_wait3A_537 = tpu.memref_slice %arg7[%dma_wait3A_528] : memref<4x!tpu.dma_semaphore, #tpu.memory_space<semaphore_mem>> -> memref<1x!tpu.dma_semaphore, #tpu.memory_space<semaphore_mem>>
      %dma_wait3A_538 = tpu.memref_squeeze %dma_wait3A_537 : memref<1x!tpu.dma_semaphore, #tpu.memory_space<semaphore_mem>> -> memref<!tpu.dma_semaphore, #tpu.memory_space<semaphore_mem>>
      tpu.wait_indirect_dma semaphore(%dma_wait3A_538 : memref<!tpu.dma_semaphore, #tpu.memory_space<semaphore_mem>>) src(%dma_wait3A_536 : memref<1000000x64xf32, #tpu.memory_space<hbm>>) dst(%dma_wait3A_532 : memref<400x64xf32, #tpu.memory_space<vmem>>)
      %mul3A_539 = arith.constant 400 : i32
      %mul3A_540 = arith.muli %add3A_524, %mul3A_539 : i32
      %add3A_541 = arith.addi %mul3A_2, %mul3A_540 : i32
      %dma_start3A_542 = arith.constant 3 : i32
      %dma_start3A_543 = arith.constant 3 : i32
      %dma_start3A_544 = arith.constant 0 : i32
      %dma_start3A_545 = arith.constant 0 : i32
      %dma_start3A_546 = tpu.memref_slice %arg6[%dma_start3A_542, %dma_start3A_544, %dma_start3A_545] : memref<4x400x64xf32, #tpu.memory_space<vmem>> -> memref<1x400x64xf32, #tpu.memory_space<vmem>>
      %dma_start3A_547 = tpu.memref_squeeze %dma_start3A_546 : memref<1x400x64xf32, #tpu.memory_space<vmem>> -> memref<400x64xf32, #tpu.memory_space<vmem>>
      %dma_start3A_548 = arith.constant 0 : i32
      %dma_start3A_549 = tpu.memref_slice %arg4[%add3A_541, %dma_start3A_548] : memref<819200x64xf32, #tpu.memory_space<hbm>> -> memref<400x64xf32, #tpu.memory_space<hbm>>
      %dma_start3A_550 = tpu.memref_slice %arg8[%dma_start3A_543] : memref<4x!tpu.dma_semaphore, #tpu.memory_space<semaphore_mem>> -> memref<1x!tpu.dma_semaphore, #tpu.memory_space<semaphore_mem>>
      %dma_start3A_551 = tpu.memref_squeeze %dma_start3A_550 : memref<1x!tpu.dma_semaphore, #tpu.memory_space<semaphore_mem>> -> memref<!tpu.dma_semaphore, #tpu.memory_space<semaphore_mem>>
      %dma_start3A_552 = arith.constant 0 : i32
      %dma_start3A_553 = tpu.memref_slice %arg4[%add3A_541, %dma_start3A_552] : memref<819200x64xf32, #tpu.memory_space<hbm>> -> memref<400x64xf32, #tpu.memory_space<hbm>>
      %dma_start3A_554 = arith.constant 0 : i32
      %dma_start3A_555 = arith.constant 0 : i32
      %dma_start3A_556 = tpu.memref_slice %arg6[%dma_start3A_542, %dma_start3A_554, %dma_start3A_555] : memref<4x400x64xf32, #tpu.memory_space<vmem>> -> memref<1x400x64xf32, #tpu.memory_space<vmem>>
      %dma_start3A_557 = tpu.memref_squeeze %dma_start3A_556 : memref<1x400x64xf32, #tpu.memory_space<vmem>> -> memref<400x64xf32, #tpu.memory_space<vmem>>
      tpu.enqueue_dma source(%dma_start3A_557 : memref<400x64xf32, #tpu.memory_space<vmem>>) target(%dma_start3A_553 : memref<400x64xf32, #tpu.memory_space<hbm>>) target_semaphore(%dma_start3A_551 : memref<!tpu.dma_semaphore, #tpu.memory_space<semaphore_mem>>)
    }
    %scan3A_181 = arith.constant 15 : i32
    %add3A_182 = arith.constant 24000 : i32
    %add3A_183 = arith.addi %mul3A_2, %add3A_182 : i32
    %dma_wait3A_184 = arith.constant 0 : i32
    %dma_wait3A_185 = arith.constant 0 : i32
    %dma_wait3A_186 = arith.constant 0 : i32
    %dma_wait3A_187 = arith.constant 0 : i32
    %dma_wait3A_188 = tpu.memref_slice %arg6[%dma_wait3A_184, %dma_wait3A_186, %dma_wait3A_187] : memref<4x400x64xf32, #tpu.memory_space<vmem>> -> memref<1x400x64xf32, #tpu.memory_space<vmem>>
    %dma_wait3A_189 = tpu.memref_squeeze %dma_wait3A_188 : memref<1x400x64xf32, #tpu.memory_space<vmem>> -> memref<400x64xf32, #tpu.memory_space<vmem>>
    %dma_wait3A_190 = arith.constant 0 : i32
    %dma_wait3A_191 = tpu.memref_slice %arg4[%add3A_183, %dma_wait3A_190] : memref<819200x64xf32, #tpu.memory_space<hbm>> -> memref<400x64xf32, #tpu.memory_space<hbm>>
    %dma_wait3A_192 = tpu.memref_slice %arg8[%dma_wait3A_185] : memref<4x!tpu.dma_semaphore, #tpu.memory_space<semaphore_mem>> -> memref<1x!tpu.dma_semaphore, #tpu.memory_space<semaphore_mem>>
    %dma_wait3A_193 = tpu.memref_squeeze %dma_wait3A_192 : memref<1x!tpu.dma_semaphore, #tpu.memory_space<semaphore_mem>> -> memref<!tpu.dma_semaphore, #tpu.memory_space<semaphore_mem>>
    %dma_wait3A_194 = arith.constant 0 : i32
    %dma_wait3A_195 = tpu.memref_slice %arg4[%add3A_183, %dma_wait3A_194] : memref<819200x64xf32, #tpu.memory_space<hbm>> -> memref<400x64xf32, #tpu.memory_space<hbm>>
    %dma_wait3A_196 = arith.constant 0 : i32
    %dma_wait3A_197 = arith.constant 0 : i32
    %dma_wait3A_198 = tpu.memref_slice %arg6[%dma_wait3A_184, %dma_wait3A_196, %dma_wait3A_197] : memref<4x400x64xf32, #tpu.memory_space<vmem>> -> memref<1x400x64xf32, #tpu.memory_space<vmem>>
    %dma_wait3A_199 = tpu.memref_squeeze %dma_wait3A_198 : memref<1x400x64xf32, #tpu.memory_space<vmem>> -> memref<400x64xf32, #tpu.memory_space<vmem>>
    tpu.wait_dma2 semaphore(%dma_wait3A_193 : memref<!tpu.dma_semaphore, #tpu.memory_space<semaphore_mem>>) src(%dma_wait3A_199 : memref<400x64xf32, #tpu.memory_space<vmem>>) dst(%dma_wait3A_195 : memref<400x64xf32, #tpu.memory_space<hbm>>)
    %add3A_200 = arith.constant 24400 : i32
    %add3A_201 = arith.addi %mul3A_2, %add3A_200 : i32
    %dma_wait3A_202 = arith.constant 1 : i32
    %dma_wait3A_203 = arith.constant 1 : i32
    %dma_wait3A_204 = arith.constant 0 : i32
    %dma_wait3A_205 = arith.constant 0 : i32
    %dma_wait3A_206 = tpu.memref_slice %arg6[%dma_wait3A_202, %dma_wait3A_204, %dma_wait3A_205] : memref<4x400x64xf32, #tpu.memory_space<vmem>> -> memref<1x400x64xf32, #tpu.memory_space<vmem>>
    %dma_wait3A_207 = tpu.memref_squeeze %dma_wait3A_206 : memref<1x400x64xf32, #tpu.memory_space<vmem>> -> memref<400x64xf32, #tpu.memory_space<vmem>>
    %dma_wait3A_208 = arith.constant 0 : i32
    %dma_wait3A_209 = tpu.memref_slice %arg4[%add3A_201, %dma_wait3A_208] : memref<819200x64xf32, #tpu.memory_space<hbm>> -> memref<400x64xf32, #tpu.memory_space<hbm>>
    %dma_wait3A_210 = tpu.memref_slice %arg8[%dma_wait3A_203] : memref<4x!tpu.dma_semaphore, #tpu.memory_space<semaphore_mem>> -> memref<1x!tpu.dma_semaphore, #tpu.memory_space<semaphore_mem>>
    %dma_wait3A_211 = tpu.memref_squeeze %dma_wait3A_210 : memref<1x!tpu.dma_semaphore, #tpu.memory_space<semaphore_mem>> -> memref<!tpu.dma_semaphore, #tpu.memory_space<semaphore_mem>>
    %dma_wait3A_212 = arith.constant 0 : i32
    %dma_wait3A_213 = tpu.memref_slice %arg4[%add3A_201, %dma_wait3A_212] : memref<819200x64xf32, #tpu.memory_space<hbm>> -> memref<400x64xf32, #tpu.memory_space<hbm>>
    %dma_wait3A_214 = arith.constant 0 : i32
    %dma_wait3A_215 = arith.constant 0 : i32
    %dma_wait3A_216 = tpu.memref_slice %arg6[%dma_wait3A_202, %dma_wait3A_214, %dma_wait3A_215] : memref<4x400x64xf32, #tpu.memory_space<vmem>> -> memref<1x400x64xf32, #tpu.memory_space<vmem>>
    %dma_wait3A_217 = tpu.memref_squeeze %dma_wait3A_216 : memref<1x400x64xf32, #tpu.memory_space<vmem>> -> memref<400x64xf32, #tpu.memory_space<vmem>>
    tpu.wait_dma2 semaphore(%dma_wait3A_211 : memref<!tpu.dma_semaphore, #tpu.memory_space<semaphore_mem>>) src(%dma_wait3A_217 : memref<400x64xf32, #tpu.memory_space<vmem>>) dst(%dma_wait3A_213 : memref<400x64xf32, #tpu.memory_space<hbm>>)
    %add3A_218 = arith.constant 24800 : i32
    %add3A_219 = arith.addi %mul3A_2, %add3A_218 : i32
    %dma_wait3A_220 = arith.constant 2 : i32
    %dma_wait3A_221 = arith.constant 2 : i32
    %dma_wait3A_222 = arith.constant 0 : i32
    %dma_wait3A_223 = arith.constant 0 : i32
    %dma_wait3A_224 = tpu.memref_slice %arg6[%dma_wait3A_220, %dma_wait3A_222, %dma_wait3A_223] : memref<4x400x64xf32, #tpu.memory_space<vmem>> -> memref<1x400x64xf32, #tpu.memory_space<vmem>>
    %dma_wait3A_225 = tpu.memref_squeeze %dma_wait3A_224 : memref<1x400x64xf32, #tpu.memory_space<vmem>> -> memref<400x64xf32, #tpu.memory_space<vmem>>
    %dma_wait3A_226 = arith.constant 0 : i32
    %dma_wait3A_227 = tpu.memref_slice %arg4[%add3A_219, %dma_wait3A_226] : memref<819200x64xf32, #tpu.memory_space<hbm>> -> memref<400x64xf32, #tpu.memory_space<hbm>>
    %dma_wait3A_228 = tpu.memref_slice %arg8[%dma_wait3A_221] : memref<4x!tpu.dma_semaphore, #tpu.memory_space<semaphore_mem>> -> memref<1x!tpu.dma_semaphore, #tpu.memory_space<semaphore_mem>>
    %dma_wait3A_229 = tpu.memref_squeeze %dma_wait3A_228 : memref<1x!tpu.dma_semaphore, #tpu.memory_space<semaphore_mem>> -> memref<!tpu.dma_semaphore, #tpu.memory_space<semaphore_mem>>
    %dma_wait3A_230 = arith.constant 0 : i32
    %dma_wait3A_231 = tpu.memref_slice %arg4[%add3A_219, %dma_wait3A_230] : memref<819200x64xf32, #tpu.memory_space<hbm>> -> memref<400x64xf32, #tpu.memory_space<hbm>>
    %dma_wait3A_232 = arith.constant 0 : i32
    %dma_wait3A_233 = arith.constant 0 : i32
    %dma_wait3A_234 = tpu.memref_slice %arg6[%dma_wait3A_220, %dma_wait3A_232, %dma_wait3A_233] : memref<4x400x64xf32, #tpu.memory_space<vmem>> -> memref<1x400x64xf32, #tpu.memory_space<vmem>>
    %dma_wait3A_235 = tpu.memref_squeeze %dma_wait3A_234 : memref<1x400x64xf32, #tpu.memory_space<vmem>> -> memref<400x64xf32, #tpu.memory_space<vmem>>
    tpu.wait_dma2 semaphore(%dma_wait3A_229 : memref<!tpu.dma_semaphore, #tpu.memory_space<semaphore_mem>>) src(%dma_wait3A_235 : memref<400x64xf32, #tpu.memory_space<vmem>>) dst(%dma_wait3A_231 : memref<400x64xf32, #tpu.memory_space<hbm>>)
    %add3A_236 = arith.constant 25200 : i32
    %add3A_237 = arith.addi %mul3A_2, %add3A_236 : i32
    %dma_wait3A_238 = arith.constant 3 : i32
    %dma_wait3A_239 = arith.constant 3 : i32
    %dma_wait3A_240 = arith.constant 0 : i32
    %dma_wait3A_241 = arith.constant 0 : i32
    %dma_wait3A_242 = tpu.memref_slice %arg6[%dma_wait3A_238, %dma_wait3A_240, %dma_wait3A_241] : memref<4x400x64xf32, #tpu.memory_space<vmem>> -> memref<1x400x64xf32, #tpu.memory_space<vmem>>
    %dma_wait3A_243 = tpu.memref_squeeze %dma_wait3A_242 : memref<1x400x64xf32, #tpu.memory_space<vmem>> -> memref<400x64xf32, #tpu.memory_space<vmem>>
    %dma_wait3A_244 = arith.constant 0 : i32
    %dma_wait3A_245 = tpu.memref_slice %arg4[%add3A_237, %dma_wait3A_244] : memref<819200x64xf32, #tpu.memory_space<hbm>> -> memref<400x64xf32, #tpu.memory_space<hbm>>
    %dma_wait3A_246 = tpu.memref_slice %arg8[%dma_wait3A_239] : memref<4x!tpu.dma_semaphore, #tpu.memory_space<semaphore_mem>> -> memref<1x!tpu.dma_semaphore, #tpu.memory_space<semaphore_mem>>
    %dma_wait3A_247 = tpu.memref_squeeze %dma_wait3A_246 : memref<1x!tpu.dma_semaphore, #tpu.memory_space<semaphore_mem>> -> memref<!tpu.dma_semaphore, #tpu.memory_space<semaphore_mem>>
    %dma_wait3A_248 = arith.constant 0 : i32
    %dma_wait3A_249 = tpu.memref_slice %arg4[%add3A_237, %dma_wait3A_248] : memref<819200x64xf32, #tpu.memory_space<hbm>> -> memref<400x64xf32, #tpu.memory_space<hbm>>
    %dma_wait3A_250 = arith.constant 0 : i32
    %dma_wait3A_251 = arith.constant 0 : i32
    %dma_wait3A_252 = tpu.memref_slice %arg6[%dma_wait3A_238, %dma_wait3A_250, %dma_wait3A_251] : memref<4x400x64xf32, #tpu.memory_space<vmem>> -> memref<1x400x64xf32, #tpu.memory_space<vmem>>
    %dma_wait3A_253 = tpu.memref_squeeze %dma_wait3A_252 : memref<1x400x64xf32, #tpu.memory_space<vmem>> -> memref<400x64xf32, #tpu.memory_space<vmem>>
    tpu.wait_dma2 semaphore(%dma_wait3A_247 : memref<!tpu.dma_semaphore, #tpu.memory_space<semaphore_mem>>) src(%dma_wait3A_253 : memref<400x64xf32, #tpu.memory_space<vmem>>) dst(%dma_wait3A_249 : memref<400x64xf32, #tpu.memory_space<hbm>>)
    return
  }
}

</mosaic_0001>

<sc_bundles>
// kernel: kernel.3.cloned.1.call-start
scs
__scs_entry_jumppad:
0x0: {  	(pc) =	sbr.rel $0x88, $3  }
0x1: {  	(tag) =	ssettag $0x0;
	lr =	simm.s32 $0x1  }
0x2: {  	[smem:$0x3F9F] =	sst lr;
	_ =	strace $0xD0000000  }
0x3: {  	_ = 	snop  }
0x4: {  	_ = 	snop  }
0x5: {  	_ = 	snop  }
0x6: {  	_ = 	snop  }
0x7: {  	_ = 	snop  }
__scs_overlays_trampoline_lowered:
0x8: {  	[smem:$0x3FAE] =	sst s0  }
0x9: {  	[smem:$0x3FAF] =	sst s1  }
0xa: {  	[smem:$0x3FB0] =	sst s2  }
0xb: {  	[smem:$0x3FB1] =	sst s3  }
0xc: {  	[smem:$0x3FB2] =	sst s4  }
0xd: {  	[smem:$0x3FB3] =	sst s5  }
0xe: {  	[smem:$0x3FB4] =	sst s6  }
0xf: {  	[smem:$0x3FB5] =	sst s7  }
0x10: {  	[smem:$0x3FB6] =	sst s8  }
0x11: {  	[smem:$0x3FB7] =	sst s9;
	s0 =	simm.s32 @!p0 $0x0  }
0x12: {  	s1 =	sld [smem:$0x3F9D];
	s0 =	simm.s32 @p0 $0x1  }
0x13: {  	[smem:$0x3FB8] =	sst s0;
	s0 =	simm.s32 @!p1 $0x0  }
0x14: {  	s2 =	sld [smem:$0x3F9C];
	s0 =	simm.s32 @p1 $0x1  }
0x15: {  	[smem:$0x3FB9] =	sst s0;
	s0 =	simm.s32 @!p2 $0x0  }
0x16: {  	s3 =	sld [smem:$0x3FDB];
	s0 =	simm.s32 @p2 $0x1  }
0x17: {  	s4 =	simm.s32 $0x1BF5;
	[smem:$0x3FBB] =	sst s0  }
0x18: {  	s0 =	sld [smem:$0x3F9E];
	_ =	swait.ge [sflag:s4], $0x0  }
0x19: {  	s7 =	sld [smem:$0x3F9F]  }
0x1a: {  	s8 =	sadd.s32 $0xFFFFE003, lr  }
0x1b: {  	s9 =	sadd.s32 $0xFFFFFEF7, lr;
	s5 =	simm.s32 $0xFFFFFFFF;
	p2 =	slt.u32 s8, $0xFFFFF086  }
0x1c: {  	p1 =	slt.u32 s9, $0xF7A;
	s5 =	simm.s32 @!p2 $0x0  }
0x1d: {  	s5 =	simm.s32 @p1 $0x1;
	p0 =	seq.s32 s7, s2  }
0x1e: {  	s7 =	smul.u32 @!p0 $0xF7A, s2;
	p2 =	seq.s32 @!p0 s5, $0x0  }
0x1f: {  	s9 =	smul.u32 $0xF7A, s1;
	s8 =	simm.s32 @!p0 $0x1BF5;
	p2 =	por !p2, p0  }
0x20: {  	[sflag:s8] =	ssyncset.s32 @!p0 $0xFFFFF086;
	s6 =	sadd.s32 @!p0 s3, s7;
	s7 =	simm.s32 @!p0 $0x108  }
0x21: {  	s3 =	sadd.s32 s3, s9;
	s6 =	sadd.s32 @!p0 $0x88, s6;
	s7 =	simm.s32 @p2 $0x1082  }
0x22: {  	[simem:s7], [sflag:s8] =	dma.local @!p0 [hbm:s6], $0xF7A  }
0x23: {  	s9 =	sor.u32 $0xD0000000, s2;
	s6 =	simm.s32 $0x108;
	_ =	swait.ge @!p0 [sflag:s8], $0x0  }
0x24: {  	s3 =	sadd.s32 $0x88, s3;
	s6 =	simm.s32 @!p1 $0x1082;
	[sflag:s4] =	ssyncset.s32 $0xFFFFF086  }
0x25: {  	[simem:s6], [sflag:s4] =	dma.local [hbm:s3], $0xF7A  }
0x26: {  	[smem:$0x3F9F] =	sst s1;
	(tag) =	ssettag s2;
	_ =	strace s9  }
0x27: {  	s1 =	sld [smem:$0x3FAF]  }
0x28: {  	s2 =	sld [smem:$0x3FB0]  }
0x29: {  	s4 =	sld [smem:$0x3FB2]  }
0x2a: {  	p0 =	seq.s32 s5, $0x0;
	s5 =	sld [smem:$0x3FB3]  }
0x2b: {  	s6 =	sld [smem:$0x3FB4]  }
0x2c: {  	s7 =	sld [smem:$0x3FB5]  }
0x2d: {  	s3 =	simm.s32 $0x108;
	s8 =	sld [smem:$0x3FB6]  }
0x2e: {  	s3 =	simm.s32 @!p0 $0x1082;
	s9 =	sld [smem:$0x3FB7]  }
0x2f: {  	lr =	sadd.s32 s0, s3;
	s0 =	sld [smem:$0x3FAE]  }
0x30: {  	s3 =	sld [smem:$0x3FB1]  }
0x31: {  	[smem:$0x3FBA] =	sst s10  }
0x32: {  	s10 =	sld [smem:$0x3FB8];
	_ =	sdelay $0x3  }
0x33: {  	p0 =	seq.s32 s10, $0x1;
	s10 =	sld [smem:$0x3FBA];
	_ =	sdelay $0x3  }
0x34: {  	[smem:$0x3FBA] =	sst s10  }
0x35: {  	s10 =	sld [smem:$0x3FB9];
	_ =	sdelay $0x3  }
0x36: {  	p1 =	seq.s32 s10, $0x1;
	s10 =	sld [smem:$0x3FBA];
	_ =	sdelay $0x3  }
0x37: {  	[smem:$0x3FBA] =	sst s10  }
0x38: {  	s10 =	sld [smem:$0x3FBB]  }
0x39: {  	_ = 	snop;
	(pc) =	sbr.ind lr, $3  }
0x3a: {  	_ = 	snop  }
0x3b: {  	_ = 	snop  }
0x3c: {  	p2 =	seq.s32 s10, $0x1;
	s10 =	sld [smem:$0x3FBA]  }
0x3d: {  	_ =	shalt  }
0x3e: {  	_ =	shalt  }
0x3f: {  	_ =	shalt  }
0x40: {  	_ =	shalt  }
0x41: {  	_ =	shalt  }
0x42: {  	_ =	shalt  }
0x43: {  	_ =	shalt  }
0x44: {  	_ =	shalt  }
0x45: {  	_ =	shalt  }
0x46: {  	_ =	shalt  }
0x47: {  	_ =	shalt  }
0x48: {  	_ =	shalt  }
0x49: {  	_ =	shalt  }
0x4a: {  	_ =	shalt  }
0x4b: {  	_ =	shalt  }
0x4c: {  	_ =	shalt  }
0x4d: {  	_ =	shalt  }
0x4e: {  	_ =	shalt  }
0x4f: {  	_ =	shalt  }
0x50: {  	_ =	shalt  }
0x51: {  	_ =	shalt  }
0x52: {  	_ =	shalt  }
0x53: {  	_ =	shalt  }
0x54: {  	_ =	shalt  }
0x55: {  	_ =	shalt  }
0x56: {  	_ =	shalt  }
0x57: {  	_ =	shalt  }
0x58: {  	_ =	shalt  }
0x59: {  	_ =	shalt  }
0x5a: {  	_ =	shalt  }
0x5b: {  	_ =	shalt  }
0x5c: {  	_ =	shalt  }
0x5d: {  	_ =	shalt  }
0x5e: {  	_ =	shalt  }
0x5f: {  	_ =	shalt  }
0x60: {  	_ =	shalt  }
0x61: {  	_ =	shalt  }
0x62: {  	_ =	shalt  }
0x63: {  	_ =	shalt  }
0x64: {  	_ =	shalt  }
0x65: {  	_ =	shalt  }
0x66: {  	_ =	shalt  }
0x67: {  	_ =	shalt  }
0x68: {  	_ =	shalt  }
0x69: {  	_ =	shalt  }
0x6a: {  	_ =	shalt  }
0x6b: {  	_ =	shalt  }
0x6c: {  	_ =	shalt  }
0x6d: {  	_ =	shalt  }
0x6e: {  	_ =	shalt  }
0x6f: {  	_ =	shalt  }
0x70: {  	_ =	shalt  }
0x71: {  	_ =	shalt  }
0x72: {  	_ =	shalt  }
0x73: {  	_ =	shalt  }
0x74: {  	_ =	shalt  }
0x75: {  	_ =	shalt  }
0x76: {  	_ =	shalt  }
0x77: {  	_ =	shalt  }
0x78: {  	_ =	shalt  }
0x79: {  	_ =	shalt  }
0x7a: {  	_ =	shalt  }
0x7b: {  	_ =	shalt  }
0x7c: {  	_ =	shalt  }
0x7d: {  	_ =	shalt  }
0x7e: {  	_ =	shalt  }
0x7f: {  	_ =	shalt  }
0x80: {  	_ =	shalt  }
0x81: {  	_ =	shalt  }
0x82: {  	_ =	shalt  }
0x83: {  	_ =	shalt  }
0x84: {  	_ =	shalt  }
0x85: {  	_ =	shalt  }
0x86: {  	_ =	shalt  }
0x87: {  	_ =	shalt  }
.Lfunc_end0:
.L_simem_size_0:
called_computation.1_lowered:
.L_overlay_start_0:
0x88: {  	s2 =	sld [smem:$0x3FD9]  }
0x89: {  	s3 =	sld [smem:$0x3FFE];
	_ =	sdelay $0x1  }
0x8a: {  	s1 =	srdreg.scid  }
0x8b: {  	s0 =	sand.u32 $0x1, s1  }
0x8c: {  	s17 =	sshll.u32 s0, $0xA;
	s2 =	sadd.s32 s3, s2  }
0x8d: {  	s2 =	sadd.s32 s2, s17  }
0x8e: {  	[smem:$0x3FC6] =	sst s2  }
0x8f: {  	_ = 	snop  }
0x90: {  	s2 =	sld [smem:$0x3FD0];
	(tm) =	ssettm $0x1  }
0x91: {  	s18 =	sld [smem:$0x3FFB];
	_ =	sdelay $0x3  }
0x92: {  	_ =	strace s18  }
0x93: {  	s3 =	sld [smem:$0x3FFC];
	_ =	sdelay $0x3  }
0x94: {  	_ =	strace s3  }
0x95: {  	s3 =	sld [smem:$0x3FFD];
	_ =	sdelay $0x3  }
0x96: {  	_ =	strace s3  }
0x97: {  	_ =	strace $0x8FFFFFFF  }
0x98: {  	s19 =	sld [smem:$0x3FDB];
	_ =	sdelay $0x1  }
0x99: {  	s4 =	simm.s32 $_scs_section_size  }
0x9a: {  	s5 =	simm.s32 $_size__tile_overlayer_lowered;
	s6 =	simm.s32 $_tile_overlayer_lowered  }
0x9b: {  	s22 =	simm.s32 $0x1BFF;
	s21 =	sshll.u32 s6, $0x1;
	s3 =	sadd.s32 s4, s19  }
0x9c: {  	s7 =	simm.s32 $0x0;
	s20 =	sshll.u32 s5, $0x1;
	s5 =	sadd.s32 s21, s3  }
0x9d: {  	[timem:s7], [sflag:s22] =	dma.local [hbm:s5], s20  }
0x9e: {  	_ =	swait.ge [sflag:s22], s20  }
0x9f: {  	s4 =	ssub.s32 $0x0, s20;
	[sflag:s22] =	ssyncset.done $0x0  }
0xa0: {  	[sflag:s22] =	ssyncadd.s32 s4;
	_ =	sdelay $0x1  }
0xa1: {  	s23 =	simm.s32 $0x1B8B  }
0xa2: {  	_ =	swait.ge [sflag:s23], $0x1  }
0xa3: {  	[sflag:s23] =	ssyncset.done $0x0  }
0xa4: {  	s25 =	simm.s32 $0x1B8E;
	s24 =	sld [smem:$0x3FFE];
	[sflag:s23] =	ssyncadd.s32 $0xFFFFFFFF  }
0xa5: {  	s26 =	simm.s32 $execute0_lowered;
	[smem:$0x3FD2] =	sst s25  }
0xa6: {  	s5 =	sshll.u32 s26, $0x1;
	_ =	strace $0x80000046;
	[dreg:$0x1] =	wrdreg $0xFFFFFFFF  }
0xa7: {  	s28 =	simm.s32 $_size_execute0_lowered;
	s3 =	sadd.s32 s3, s5;
	[dreg:$0x0] =	wrdreg $0x0  }
0xa8: {  	s5 =	sshll.u32 s28, $0x1;
	[dreg:$0x2] =	wrdreg s3  }
0xa9: {  	[dreg:$0x3] =	wrdreg s5  }
0xaa: {  	[dreg:$0x4] =	wrdreg $0xC0  }
0xab: {  	_ =	task [dreg:s7], $0x5FFFF  }
0xac: {  	[dreg:$0x1] =	wrdreg $0xFFFFFFFF  }
0xad: {  	[dreg:$0x0] =	wrdreg $0x60  }
0xae: {  	[dreg:$0x2] =	wrdreg s24  }
0xaf: {  	[dreg:$0x3] =	wrdreg s2  }
0xb0: {  	[dreg:$0x4] =	wrdreg $0x9  }
0xb1: {  	_ =	task.clear_ibuf [dreg:s7], $0x5FFFF;
	_ =	strace $0x90000046  }
0xb2: {  	s29 =	simm.s32 $0x9;
	_ =	strace $0x80000048  }
0xb3: {  	_ =	swait.ge [sflag:s29], $0x1  }
0xb4: {  	[sflag:s29] =	ssyncadd.s32 $0xFFFFFFFF  }
0xb5: {  	_ =	strace $0x90000048  }
0xb6: {  	_ =	sfence  }
0xb7: {  	s30 =	sld [smem:$0x0];
	_ =	sdelay $0x2  }
0xb8: {  	s31 =	sshll.u32 s1, $0xD;
	s1 =	sshrl.u32 s1, $0x2  }
0xb9: {  	s3 =	sand.u32 $0x4000, s31;
	s1 =	sadd.s32 s1, s30  }
0xba: {  	s0 =	sor.u32 s3, s0;
	s1 =	sshll.u32 s1, $0x11  }
0xbb: {  	s0 =	sor.u32 s1, s0  }
0xbc: {  	s0 =	sadd.s32 $0x8F2B, s0  }
0xbd: {  	[sflag:s0] =	ssyncadd.remote.s32 $0x1  }
0xbe: {  	_ =	sfence.sel $0xFFFF  }
0xbf: {  	[dreg:$0x0] =	wrdreg $0xFFFFFFFF;
	(pc) =	sbr.abs _section_cstart, $3  }
0xc0: {  	[dreg:$0x1] =	wrdreg $0xFFFFFFFF  }
0xc1: {  	_ =	task.clear_ibuf [dreg:s7], $0x2FFFF;
	_ =	strace $0x9FFFFFFF  }
0xc2: {  	(tm) =	ssettm $0x7FFFFFFF  }
0xc3: {  	_ =	shalt  }
tec
execute0_lowered:
.L_overlay_start_1:
0x0: {  	(tag) =	ssettag $0x1  }
0x1: {  	s0 =	srdreg.scid;
	s1 =	rddreg [dreg:$0x0]  }
0x2: {  	s9 =	stileid.u32;
	s4 =	rddreg [dreg:$0x1]  }
0x3: {  	s14 =	simm.s32 $0x9;
	s15 =	simm.s32 $0x190;
	s16 =	simm.s32 $0x6400  }
0x4: {  	s17 =	simm.s32 $0xC800;
	s19 =	simm.s32 $0x12C00;
	s21 =	simm.s32 $0x19000  }
0x5: {  	s22 =	simm.s32 $0x1;
	s23 =	simm.s32 $0x2;
	s28 =	simm.s32 $0x6  }
0x6: {  	s0 =	sand.u32 $0x1, s0;
	s2 =	sshll.u32 s9, $0x1;
	s9 =	smul.u32 $0xC800, s9  }
0x7: {  	s3 =	sor.u32 s0, s2;
	s8 =	ssub.s32 $0x2, s0;
	s0 =	smul.u32 $0x6400, s0  }
0x8: {  	s29 =	simm.s32 $0x7;
	s30 =	simm.s32 $0x8;
	s5 =	smul.u32 $0x6400, s3  }
0x9: {  	s31 =	simm.s32 $0x0;
	s2 =	simm.s32 $0x0;
	s6 =	smul.u32 $0x32000, s3  }
0xa: {  	[smem:$0x7FF] =	sst s2;
	s7 =	smul.u32 $0x190000, s3;
	s3 =	sadd.s32 $0xF42E00, s1  }
0xb: {  	s24 =	sshrl.u32 s8, $0x1;
	_ =	strace $0x80000047;
	s0 =	sadd.s32 s0, s9  }
0xc: {  	s5 =	sshrl.u32 s5, $0x3;
	s25 =	sshrl.u32 s7, $0x3;
	s0 =	sshll.u32 s0, $0x3  }
0xd: {  	s5 =	sadd.s32 s5, s1;
	s1 =	ssub.s32 s8, s24;
	s0 =	sadd.s32 s4, s0  }
0xe: {  	s24 =	simm.s32 $0x3;
	s5 =	sadd.s32 $0xA00, s5;
	s9 =	smax.u32 s1, $0x1  }
0xf: {  	s11 =	sadd.s32 $0x4B00, s0;
	[dreg:$0x3] =	wrdreg s5;
	s5 =	sadd.s32 s4, s6  }
0x10: {  	s12 =	sadd.s32 $0x3E80, s0;
	s13 =	sadd.s32 $0x3200, s0;
	s6 =	sadd.s32 $0xC80, s5  }
0x11: {  	s26 =	sadd.s32 $0x1900, s5;
	[dreg:$0x4] =	wrdreg s6;
	s6 =	sadd.s32 s4, s25  }
0x12: {  	[dreg:$0x5] =	wrdreg s26;
	s25 =	simm.s32 $0x4;
	s6 =	sadd.s32 $0x2580, s6  }
0x13: {  	s26 =	simm.s32 $0x5;
	[dreg:$0x6] =	wrdreg s6;
	s6 =	sadd.s32 $0x5780, s0  }
.LBB2_1:
0x14: {  	s0 =	rddreg [dreg:$0x3]  }
0x15: {  	[tilespmem:s2], [sflag:$0x9] =	stream.linear.gather [hbm4b:s0+s2], $0x6400, $0x38;
	[tilespmem:$0x1F400] =	vst v63  }
0x16: {  	_ =	swait.ge [sflag:s14], $0x6400  }
0x17: {  	[sflag:s14] =	ssyncset.done $0x0  }
0x18: {  	[sflag:s14] =	ssyncadd.s32 $0xFFFF9C00  }
0x19: {  	[tilespmem:s16], [sflag:$0x1] =	stream.indirect.gather [hbm4b:s3+s15], $0x40, s2, s15, $0xb8;
	[tilespmem:$0x1F400] =	vst v63  }
0x1a: {  	_ = 	snop  }
0x1b: {  	[tilespmem:s17], [sflag:$0x2] =	stream.indirect.gather [hbm4b:s3+s15], $0x40, s15, s15, $0xb8;
	[tilespmem:$0x1F400] =	vst v63  }
0x1c: {  	s18 =	simm.s32 $0x320  }
0x1d: {  	[tilespmem:s19], [sflag:$0x3] =	stream.indirect.gather [hbm4b:s3+s15], $0x40, s18, s15, $0xb8;
	[tilespmem:$0x1F400] =	vst v63  }
0x1e: {  	s20 =	simm.s32 $0x4B0  }
0x1f: {  	[tilespmem:s21], [sflag:$0x4] =	stream.indirect.gather [hbm4b:s3+s15], $0x40, s20, s15, $0xb8;
	[tilespmem:$0x1F400] =	vst v63  }
0x20: {  	_ =	swait.ge [sflag:s22], $0x6400  }
0x21: {  	[sflag:s22] =	ssyncset.done $0x0  }
0x22: {  	[sflag:s22] =	ssyncadd.s32 $0xFFFF9C00  }
0x23: {  	[hbm4b:s5+s2] =	stream.linear.scatter [tilespmem:s16], [sflag:$0x5], $0x6400, $0x38;
	[tilespmem:$0x1F400] =	vst v63  }
0x24: {  	_ =	swait.ge [sflag:s23], $0x6400  }
0x25: {  	[sflag:s23] =	ssyncset.done $0x0  }
0x26: {  	s1 =	rddreg [dreg:$0x4];
	[sflag:s23] =	ssyncadd.s32 $0xFFFF9C00  }
0x27: {  	[hbm4b:s1+s2] =	stream.linear.scatter [tilespmem:s17], [sflag:$0x6], $0x6400, $0x38;
	[tilespmem:$0x1F400] =	vst v63  }
0x28: {  	_ =	swait.ge [sflag:s24], $0x6400  }
0x29: {  	[sflag:s24] =	ssyncset.done $0x0  }
0x2a: {  	s4 =	rddreg [dreg:$0x5];
	[sflag:s24] =	ssyncadd.s32 $0xFFFF9C00  }
0x2b: {  	[hbm4b:s4+s2] =	stream.linear.scatter [tilespmem:s19], [sflag:$0x7], $0x6400, $0x38;
	[tilespmem:$0x1F400] =	vst v63  }
0x2c: {  	_ =	swait.ge [sflag:s25], $0x6400  }
0x2d: {  	[sflag:s25] =	ssyncset.done $0x0  }
0x2e: {  	s7 =	rddreg [dreg:$0x6];
	[sflag:s25] =	ssyncadd.s32 $0xFFFF9C00  }
0x2f: {  	[hbm4b:s7+s2] =	stream.linear.scatter [tilespmem:s21], [sflag:$0x8], $0x6400, $0x38;
	[tilespmem:$0x1F400] =	vst v63  }
0x30: {  	_ =	swait.ge [sflag:s26], $0x6400  }
0x31: {  	[sflag:s26] =	ssyncset.done $0x0  }
0x32: {  	s8 =	simm.s32 $0x640;
	[sflag:s26] =	ssyncadd.s32 $0xFFFF9C00  }
0x33: {  	[tilespmem:s16], [sflag:$0x1] =	stream.indirect.gather [hbm4b:s3+s15], $0x40, s8, s15, $0xb8;
	[tilespmem:$0x1F400] =	vst v63  }
0x34: {  	_ =	swait.ge [sflag:s28], $0x6400  }
0x35: {  	[sflag:s28] =	ssyncset.done $0x0  }
0x36: {  	s10 =	simm.s32 $0x7D0;
	[sflag:s28] =	ssyncadd.s32 $0xFFFF9C00  }
0x37: {  	[tilespmem:s17], [sflag:$0x2] =	stream.indirect.gather [hbm4b:s3+s15], $0x40, s10, s15, $0xb8;
	[tilespmem:$0x1F400] =	vst v63  }
0x38: {  	_ =	swait.ge [sflag:s29], $0x6400  }
0x39: {  	[sflag:s29] =	ssyncset.done $0x0  }
0x3a: {  	s18 =	simm.s32 $0x960;
	[sflag:s29] =	ssyncadd.s32 $0xFFFF9C00  }
0x3b: {  	[tilespmem:s19], [sflag:$0x3] =	stream.indirect.gather [hbm4b:s3+s15], $0x40, s18, s15, $0xb8;
	[tilespmem:$0x1F400] =	vst v63  }
0x3c: {  	_ =	swait.ge [sflag:s30], $0x6400  }
0x3d: {  	[sflag:s30] =	ssyncset.done $0x0  }
0x3e: {  	s20 =	simm.s32 $0xAF0;
	[sflag:s30] =	ssyncadd.s32 $0xFFFF9C00  }
0x3f: {  	[tilespmem:s21], [sflag:$0x4] =	stream.indirect.gather [hbm4b:s3+s15], $0x40, s20, s15, $0xb8;
	[tilespmem:$0x1F400] =	vst v63  }
0x40: {  	_ =	swait.ge [sflag:s22], $0x6400  }
0x41: {  	[sflag:s22] =	ssyncset.done $0x0  }
0x42: {  	[sflag:s22] =	ssyncadd.s32 $0xFFFF9C00  }
0x43: {  	[hbm4b:s13+s2] =	stream.linear.scatter [tilespmem:s16], [sflag:$0x5], $0x6400, $0x38;
	[tilespmem:$0x1F400] =	vst v63  }
0x44: {  	_ =	swait.ge [sflag:s23], $0x6400  }
0x45: {  	[sflag:s23] =	ssyncset.done $0x0  }
0x46: {  	[sflag:s23] =	ssyncadd.s32 $0xFFFF9C00  }
0x47: {  	[hbm4b:s12+s2] =	stream.linear.scatter [tilespmem:s17], [sflag:$0x6], $0x6400, $0x38;
	[tilespmem:$0x1F400] =	vst v63  }
0x48: {  	_ =	swait.ge [sflag:s24], $0x6400  }
0x49: {  	[sflag:s24] =	ssyncset.done $0x0  }
0x4a: {  	[sflag:s24] =	ssyncadd.s32 $0xFFFF9C00  }
0x4b: {  	[hbm4b:s11+s2] =	stream.linear.scatter [tilespmem:s19], [sflag:$0x7], $0x6400, $0x38;
	[tilespmem:$0x1F400] =	vst v63  }
0x4c: {  	s0 =	sadd.s32 $0x3200, s12;
	s1 =	simm.s32 $0x1900;
	_ =	swait.ge [sflag:s25], $0x6400  }
0x4d: {  	s4 =	sadd.s32 $0x3200, s11;
	s10 =	smov.u32 s6;
	[sflag:s25] =	ssyncset.done $0x0  }
0x4e: {  	s18 =	sadd.s32 $0x3200, s13;
	s20 =	sadd.s32 $0x3200, s6;
	[sflag:s25] =	ssyncadd.s32 $0xFFFF9C00  }
.LBB2_2:
0x4f: {  	[hbm4b:s10+s2] =	stream.linear.scatter [tilespmem:s21], [sflag:$0x8], $0x6400, $0x38;
	[tilespmem:$0x1F400] =	vst v63  }
0x50: {  	s7 =	smov.u32 s1;
	s10 =	smov.u32 s20  }
0x51: {  	p0 =	sne.s32 s1, $0x15E00;
	s1 =	sadd.s32 $0x1900, s1;
	_ =	swait.ge [sflag:s26], $0x6400  }
0x52: {  	s7 =	sshra.s32 s7, $0x2;
	[sflag:s26] =	ssyncset.done $0x0  }
0x53: {  	s8 =	sadd.s32 $0x640, s7;
	[sflag:s26] =	ssyncadd.s32 $0xFFFF9C00  }
0x54: {  	[tilespmem:s16], [sflag:$0x1] =	stream.indirect.gather [hbm4b:s3+s15], $0x40, s8, s15, $0xb8;
	[tilespmem:$0x1F400] =	vst v63  }
0x55: {  	_ =	swait.ge [sflag:s28], $0x6400  }
0x56: {  	[sflag:s28] =	ssyncset.done $0x0  }
0x57: {  	s8 =	sadd.s32 $0x7D0, s7;
	[sflag:s28] =	ssyncadd.s32 $0xFFFF9C00  }
0x58: {  	[tilespmem:s17], [sflag:$0x2] =	stream.indirect.gather [hbm4b:s3+s15], $0x40, s8, s15, $0xb8;
	[tilespmem:$0x1F400] =	vst v63  }
0x59: {  	_ =	swait.ge [sflag:s29], $0x6400  }
0x5a: {  	[sflag:s29] =	ssyncset.done $0x0  }
0x5b: {  	s8 =	sadd.s32 $0x960, s7;
	[sflag:s29] =	ssyncadd.s32 $0xFFFF9C00  }
0x5c: {  	[tilespmem:s19], [sflag:$0x3] =	stream.indirect.gather [hbm4b:s3+s15], $0x40, s8, s15, $0xb8;
	[tilespmem:$0x1F400] =	vst v63  }
0x5d: {  	_ =	swait.ge [sflag:s30], $0x6400  }
0x5e: {  	[sflag:s30] =	ssyncset.done $0x0  }
0x5f: {  	s7 =	sadd.s32 $0xAF0, s7;
	[sflag:s30] =	ssyncadd.s32 $0xFFFF9C00  }
0x60: {  	[tilespmem:s21], [sflag:$0x4] =	stream.indirect.gather [hbm4b:s3+s15], $0x40, s7, s15, $0xb8;
	[tilespmem:$0x1F400] =	vst v63  }
0x61: {  	_ =	swait.ge [sflag:s22], $0x6400  }
0x62: {  	[sflag:s22] =	ssyncset.done $0x0  }
0x63: {  	[sflag:s22] =	ssyncadd.s32 $0xFFFF9C00  }
0x64: {  	[hbm4b:s18+s2] =	stream.linear.scatter [tilespmem:s16], [sflag:$0x5], $0x6400, $0x38;
	[tilespmem:$0x1F400] =	vst v63  }
0x65: {  	_ =	swait.ge [sflag:s23], $0x6400  }
0x66: {  	[sflag:s23] =	ssyncset.done $0x0  }
0x67: {  	[sflag:s23] =	ssyncadd.s32 $0xFFFF9C00  }
0x68: {  	[hbm4b:s0+s2] =	stream.linear.scatter [tilespmem:s17], [sflag:$0x6], $0x6400, $0x38;
	[tilespmem:$0x1F400] =	vst v63  }
0x69: {  	_ =	swait.ge [sflag:s24], $0x6400  }
0x6a: {  	[sflag:s24] =	ssyncset.done $0x0  }
.Ltmp0:
0x6b: {  	[sflag:s24] =	ssyncadd.s32 $0xFFFF9C00;
	(pc) =	sbr.rel @p0 .LBB2_2-.Ltmp0, $4  }
0x6c: {  	[hbm4b:s4+s2] =	stream.linear.scatter [tilespmem:s19], [sflag:$0x7], $0x6400, $0x38;
	[tilespmem:$0x1F400] =	vst v63  }
0x6d: {  	_ =	swait.ge [sflag:s25], $0x6400  }
0x6e: {  	s18 =	sadd.s32 $0x3200, s18;
	s0 =	sadd.s32 $0x3200, s0;
	[sflag:s25] =	ssyncset.done $0x0  }
0x6f: {  	s20 =	sadd.s32 $0x3200, s20;
	s4 =	sadd.s32 $0x3200, s4;
	[sflag:s25] =	ssyncadd.s32 $0xFFFF9C00  }
0x70: {  	[hbm4b:s10+s2] =	stream.linear.scatter [tilespmem:s21], [sflag:$0x8], $0x6400, $0x38;
	[tilespmem:$0x1F400] =	vst v63  }
0x71: {  	_ =	swait.ge [sflag:s26], $0x6400  }
0x72: {  	[sflag:s26] =	ssyncset.done $0x0  }
0x73: {  	[sflag:s26] =	ssyncadd.s32 $0xFFFF9C00  }
0x74: {  	_ =	swait.ge [sflag:s28], $0x6400  }
0x75: {  	[sflag:s28] =	ssyncset.done $0x0  }
0x76: {  	s31 =	sadd.s32 $0x1, s31;
	[sflag:s28] =	ssyncadd.s32 $0xFFFF9C00  }
0x77: {  	p0 =	sne.s32 s31, s9;
	_ =	swait.ge [sflag:s29], $0x6400  }
.Ltmp1:
0x78: {  	[sflag:s29] =	ssyncset.done $0x0;
	(pc) =	sbr.rel @p0 .LBB2_1-.Ltmp1, $4  }
0x79: {  	[sflag:s29] =	ssyncadd.s32 $0xFFFF9C00  }
0x7a: {  	_ =	swait.ge [sflag:s30], $0x6400  }
0x7b: {  	[sflag:s30] =	ssyncset.done $0x0  }
0x7c: {  	[sflag:s30] =	ssyncadd.s32 $0xFFFF9C00  }
0x7d: {  	_ =	sfence.sel $0x180000  }
0x7e: {  	[bflag:$0x0] =	sbarrier.arrive $0xFFFF  }
0x7f: {  	_ =	strace $0x90000047  }
0x80: {  	s0 =	stileid.u32;
	[bflag:$0x2] =	sbarrier.arrive $0xFFFF  }
0x81: {  	p0 =	sne.s32 s0, $0x0;
	s0 =	rddreg [dreg:$0x2]  }
0x82: {  	s0 =	sadd.s32 @!p0 $0x100000, s0  }
0x83: {  	[sflag:s0] =	ssyncadd.tile.s32 @!p0 $0x1;
	_ =	shalt  }
.Lfunc_end2:
_tile_overlayer_lowered:
.L_overlay_start_2:
0x84: {  	(tag) =	ssettag $0x2  }
0x85: {  	s0 =	rddreg [dreg:$0x0];
	s2 =	stileid.u32  }
0x86: {  	s1 =	rddreg [dreg:$0x1];
	p0 =	sne.s32 s2, $0x0  }
0x87: {  	s3 =	rddreg [dreg:$0x2];
	[bflag:$0x3] =	sbarrier.arrive $0xFFFF;
	s2 =	simm.s32 @!p0 $0x1C09  }
0x88: {  	[timem:s3], [sflag:s2] =	dma.local @!p0 [hbm:s0], s1  }
0x89: {  	s0 =	simm.s32 @!p0 $0x9  }
0x8a: {  	_ =	swait.ge @!p0 [sflag:s0], s1  }
0x8b: {  	s1 =	ssub.s32 @!p0 $0x0, s1;
	[sflag:s0] =	ssyncset.done @!p0 $0x0  }
0x8c: {  	[sflag:s0] =	ssyncadd.s32 @!p0 s1  }
0x8d: {  	[bflag:$0x3] =	sbarrier.arrive $0xFFFF  }
0x8e: {  	_ =	shalt  }

// kernel: sparse-core-data-format-call.cloned.1.call-start
scs
called_computation_lowered:
.L_overlay_start_0:
0x0: {  	s2 =	sld [smem:$0x3FD9]  }
0x1: {  	s3 =	sld [smem:$0x3FFE];
	_ =	sdelay $0x1  }
0x2: {  	s1 =	srdreg.scid  }
0x3: {  	s0 =	sand.u32 $0x1, s1  }
0x4: {  	s18 =	sshll.u32 s0, $0xA;
	s2 =	sadd.s32 s3, s2  }
0x5: {  	s2 =	sadd.s32 s2, s18  }
0x6: {  	[smem:$0x3FC6] =	sst s2  }
0x7: {  	_ = 	snop  }
0x8: {  	s2 =	sld [smem:$0x3FD0];
	(tm) =	ssettm $0x1  }
0x9: {  	s19 =	sld [smem:$0x3FFB];
	_ =	sdelay $0x3  }
0xa: {  	_ =	strace s19  }
0xb: {  	s3 =	sld [smem:$0x3FFC];
	_ =	sdelay $0x3  }
0xc: {  	_ =	strace s3  }
0xd: {  	s3 =	sld [smem:$0x3FFD];
	_ =	sdelay $0x3  }
0xe: {  	_ =	strace s3  }
0xf: {  	_ =	strace $0x8FFFFFFF  }
0x10: {  	s20 =	sld [smem:$0x3FDB];
	_ =	sdelay $0x1  }
0x11: {  	s4 =	simm.s32 $_scs_section_size  }
0x12: {  	s5 =	simm.s32 $_size__tile_overlayer_lowered;
	s6 =	simm.s32 $_tile_overlayer_lowered  }
0x13: {  	s23 =	simm.s32 $0x1BFF;
	s22 =	sshll.u32 s6, $0x1;
	s3 =	sadd.s32 s4, s20  }
0x14: {  	s7 =	simm.s32 $0x0;
	s21 =	sshll.u32 s5, $0x1;
	s5 =	sadd.s32 s22, s3  }
0x15: {  	[timem:s7], [sflag:s23] =	dma.local [hbm:s5], s21  }
0x16: {  	_ =	swait.ge [sflag:s23], s21  }
0x17: {  	s4 =	ssub.s32 $0x0, s21;
	[sflag:s23] =	ssyncset.done $0x0  }
0x18: {  	[sflag:s23] =	ssyncadd.s32 s4;
	_ =	sdelay $0x1  }
0x19: {  	s24 =	simm.s32 $0x1B8B  }
0x1a: {  	_ =	swait.ge [sflag:s24], $0x1  }
0x1b: {  	[sflag:s24] =	ssyncset.done $0x0  }
0x1c: {  	s26 =	simm.s32 $0x1B8E;
	s25 =	sld [smem:$0x3FFE];
	[sflag:s24] =	ssyncadd.s32 $0xFFFFFFFF  }
0x1d: {  	s27 =	simm.s32 $execute0_lowered;
	[smem:$0x3FD2] =	sst s26  }
0x1e: {  	s5 =	sshll.u32 s27, $0x1;
	_ =	strace $0x80000049;
	[dreg:$0x1] =	wrdreg $0xFFFFFFFF  }
0x1f: {  	s28 =	simm.s32 $_size_execute0_lowered;
	s3 =	sadd.s32 s3, s5;
	[dreg:$0x0] =	wrdreg $0x0  }
0x20: {  	s5 =	sshll.u32 s28, $0x1;
	[dreg:$0x2] =	wrdreg s3  }
0x21: {  	[dreg:$0x3] =	wrdreg s5  }
0x22: {  	[dreg:$0x4] =	wrdreg $0xC0  }
0x23: {  	_ =	task [dreg:s7], $0x5FFFF  }
0x24: {  	[dreg:$0x1] =	wrdreg $0xFFFFFFFF  }
0x25: {  	[dreg:$0x0] =	wrdreg $0x60  }
0x26: {  	[dreg:$0x2] =	wrdreg s25  }
0x27: {  	[dreg:$0x3] =	wrdreg s2  }
0x28: {  	[dreg:$0x4] =	wrdreg $0x9  }
0x29: {  	_ =	task.clear_ibuf [dreg:s7], $0x5FFFF;
	_ =	strace $0x90000049  }
0x2a: {  	s29 =	simm.s32 $0x9;
	_ =	strace $0x8000004B  }
0x2b: {  	_ =	swait.ge [sflag:s29], $0x1  }
0x2c: {  	[sflag:s29] =	ssyncadd.s32 $0xFFFFFFFF  }
0x2d: {  	_ =	strace $0x9000004B  }
0x2e: {  	_ =	sfence  }
0x2f: {  	s30 =	sld [smem:$0x0];
	_ =	sdelay $0x2  }
0x30: {  	s31 =	sshll.u32 s1, $0xD;
	s1 =	sshrl.u32 s1, $0x2  }
0x31: {  	s3 =	sand.u32 $0x4000, s31;
	s1 =	sadd.s32 s1, s30  }
0x32: {  	s0 =	sor.u32 s3, s0;
	s1 =	sshll.u32 s1, $0x11  }
0x33: {  	s0 =	sor.u32 s1, s0  }
0x34: {  	s0 =	sadd.s32 $0x8F2B, s0  }
0x35: {  	[sflag:s0] =	ssyncadd.remote.s32 $0x1  }
0x36: {  	_ =	sfence.sel $0xFFFF  }
0x37: {  	[dreg:$0x0] =	wrdreg $0xFFFFFFFF;
	(pc) =	sbr.abs _section_cstart, $3  }
0x38: {  	[dreg:$0x1] =	wrdreg $0xFFFFFFFF  }
0x39: {  	_ =	task.clear_ibuf [dreg:s7], $0x2FFFF;
	_ =	strace $0x9FFFFFFF  }
0x3a: {  	(tm) =	ssettm $0x7FFFFFFF  }
0x3b: {  	_ =	shalt  }
tec
execute0_lowered:
.L_overlay_start_1:
0x0: {  	(tag) =	ssettag $0x1  }
0x1: {  	s0 =	srdreg.scid  }
0x2: {  	s1 =	sshll.u32 s0, $0x4  }
0x3: {  	s0 =	stileid.u32;
	s1 =	sand.u32 $0x10, s1  }
0x4: {  	s1 =	sor.u32 s0, s1  }
0x5: {  	s6 =	rddreg [dreg:$0x0];
	s4 =	simm.s32 $0x1;
	s2 =	sshll.u32 s1, $0x7  }
0x6: {  	s7 =	simm.s32 $0x2;
	s12 =	simm.s32 $0x0;
	s1 =	ssub.s32 $0x4000, s2  }
0x7: {  	s8 =	simm.s32 $0x20000;
	s13 =	simm.s32 $0x0;
	s3 =	sand.u32 $0xF80, s1  }
0x8: {  	s9 =	simm.s32 $0x0;
	s5 =	sshrl.u32 s1, $0xC;
	p0 =	sne.s32 s3, $0x0  }
.Ltmp0:
0x9: {  	s1 =	rddreg [dreg:$0x2];
	s4 =	simm.s32 @!p0 $0x0;
	(pc) =	sbr.rel .LBB1_1-.Ltmp0, $4  }
0xa: {  	s11 =	simm.s32 $0x0;
	s3 =	rddreg [dreg:$0x1];
	s5 =	sadd.s32 s4, s5  }
0xb: {  	_ =	strace $0x8000004A;
	s4 =	simm.s32 $0x1;
	s5 =	smul.u32 $0x32, s5  }
0xc: {  	s6 =	sadd.s32 $0xA00, s6;
	s10 =	smov.u32 s2;
	[sflag:s4] =	ssyncpa.u1 $0x0  }
0xd: {  	p0 =	por $0x0, $0x0;
	[sflag:s7] =	ssyncpa.u1 $0x0;
	s7 =	sor.u32 $0x1, s5  }
.LBB1_4:
0xe: {  	s16 =	sshll.u32 s13, $0x3;
	s17 =	sand.u32 $0x78, s13  }
0xf: {  	s30 =	sand.u32 $0x1F800, s13;
	s12 =	sshll.u32 s12, $0x11;
	s16 =	sand.u32 $0x3C00, s16  }
0x10: {  	[tilespmem:s15+$0x810 ss:$0x81] =	vst.msk $0xffff, v2;
	s31 =	sand.u32 $0x7, s13;
	s16 =	sor.u32 s17, s16;
	s17 =	sadd.s32 s3, s30  }
0x11: {  	[tilespmem:s15+$0x1020 ss:$0x81] =	vst.msk $0xffff, v0;
	s13 =	sshll.u32 s31, $0x12;
	s12 =	sadd.s32 s12, s17;
	s16 =	sshrl.u32 s16, $0x3  }
0x12: {  	[tilespmem:s15+$0x0 ss:$0x81] =	vst.msk $0xffff, v1;
	s13 =	sor.u32 $0x400, s13;
	s12 =	sadd.s32 s16, s12  }
0x13: {  	[hbm4b:s12+s13] =	stream.strided.scatter [tilespmem:s14], [sflag:$0x2], $0x2000, s8, s13, $0x20;
	[tilespmem:$0x8080] =	vst v63  }
.LBB1_5:
0x14: {  	s14 =	sadd.s32 $0x1, s9  }
0x15: {  	s12 =	sadd.s32 $0x1000, s10;
	s16 =	smov.u32 s10;
	p2 =	sgt.s32 s14, $0x31  }
0x16: {  	s16 =	smov.u32 @p2 s12  }
0x17: {  	s14 =	simm.s32 @p2 $0x0;
	p2 =	sgt.s32 s16, $0x3FFF  }
0x18: {  	s16 =	smov.u32 @p2 s2;
	p2 =	sne.s32 s11, s7  }
.Ltmp1:
0x19: {  	p1 =	slt.u32 s11, $0x2;
	(pc) =	sbr.rel @!p2 .LBB1_6-.Ltmp1, $4  }
0x1a: {  	s15 =	simm.s32 @!p1 $0x2  }
0x1b: {  	s13 =	smov.u32 s10;
	p0 =	por !p0, !p0;
	_ =	swait.ge @!p1 [sflag:s15], $0x2000  }
0x1c: {  	s12 =	smov.u32 s9;
	[sflag:s15] =	ssyncset.done @!p1 $0x0;
	s9 =	smov.u32 s14  }
0x1d: {  	s11 =	sadd.s32 $0x1, s11;
	[sflag:s15] =	ssyncadd.s32 @!p1 $0xFFFFE000;
	s10 =	smov.u32 s16  }
.LBB1_1:
0x1e: {  	p1 =	sge.u32 s11, s5  }
0x1f: {  	s14 =	sand.u32 @!p1 $0x1FFFFFF, s9  }
0x20: {  	s15 =	smulhi.u32 @!p1 $0x4924925, s14;
	_ =	sdelay $0x1  }
0x21: {  	s15 =	smul.u32 @!p1 $0x38, s15  }
0x22: {  	s16 =	sxor.u32 @!p1 $0xFFFFFFFF, s11;
	s17 =	smul.u32 @!p1 $0x380, s10  }
0x23: {  	s31 =	sadd.s32 $0xFFFFFFFF, s11;
	s16 =	sshll.u32 @!p1 s16, $0xD;
	s14 =	ssub.s32 @!p1 s14, s15  }
0x24: {  	s15 =	sand.u32 @!p1 $0x2000, s16;
	s16 =	sadd.s32 @!p1 s6, s17;
	s14 =	sshll.u32 @!p1 s14, $0x4  }
0x25: {  	s17 =	simm.s32 @!p1 $0x1C00;
	s14 =	sadd.s32 @!p1 s14, s16;
	s16 =	simm.s32 @!p1 $0x40  }
0x26: {  	[tilespmem:s15], [sflag:$0x1] =	stream.strided.gather @!p1 [hbm4b:s14+s16], $0x2000, s17, s16, $0x38;
	[tilespmem:$0x8080] =	vst v63  }
0x27: {  	p1 =	sge.u32 s31, s5  }
.Ltmp2:
0x28: {  	_ = 	snop;
	(pc) =	sbr.rel @p1 .LBB1_5-.Ltmp2, $1  }
0x29: {  	_ =	sdelay $0x3  }
0x2a: {  	s14 =	simm.s32 $0x1  }
0x2b: {  	_ =	swait.ge [sflag:s4], $0x2000;
	s14 =	simm.s32 @!p0 $0x0  }
0x2c: {  	[sflag:s4] =	ssyncset.done $0x0;
	s15 =	sshll.u32 s14, $0xD  }
0x2d: {  	[sflag:s4] =	ssyncadd.s32 $0xFFFFE000;
	s18 =	sor.u32 $0x20, s15  }
0x2e: {  	s14 =	smul.u32 $0x8100, s14;
	v3 =	vld [tilespmem:s18+$0x10]  }
0x2f: {  	s30 =	sand.u32 $0x1, s11;
	v2 =	vld [tilespmem:s18+$0xFFFFFFF0]  }
0x30: {  	s15 =	smul.u32 $0x8100, s30;
	s14 =	sshrl.u32 s14, $0x2;
	v0 =	vld [tilespmem:s18+$0x0]  }
0x31: {  	v1 =	vld [tilespmem:s18+$0xFFFFFFE0];
	s16 =	sor.u32 $0x4000, s14  }
0x32: {  	s31 =	sshrl.u32 s15, $0x2;
	s15 =	sadd.s32 $0x0, s16  }
0x33: {  	s17 =	simm.s32 $0x4;
	s18 =	sadd.s32 $0x40, s18;
	s14 =	sor.u32 $0x4000, s31;
	[tilespmem:s15+$0x1830 ss:$0x81] =	vst.msk $0xffff, v3  }
.LBB1_3:
0x34: {  	v3 =	vld [tilespmem:s18+$0x10];
	p1 =	sne.s32 s17, $0x1FC;
	[tilespmem:s15+$0x810 ss:$0x81] =	vst.msk $0xffff, v2;
	s19 =	smov.u32 s17;
	s17 =	sadd.s32 $0x4, s17  }
.Ltmp3:
0x35: {  	v2 =	vld [tilespmem:s18+$0xFFFFFFF0];
	[tilespmem:s15+$0x1020 ss:$0x81] =	vst.msk $0xffff, v0;
	(pc) =	sbr.rel @p1 .LBB1_3-.Ltmp3, $4  }
0x36: {  	v0 =	vld [tilespmem:s18+$0x0];
	[tilespmem:s15+$0x0 ss:$0x81] =	vst.msk $0xffff, v1  }
0x37: {  	s15 =	sshra.s32 s19, $0x2;
	v1 =	vld [tilespmem:s18+$0xFFFFFFE0]  }
0x38: {  	s15 =	sadd.s32 s15, s16  }
0x39: {  	s18 =	sadd.s32 $0x40, s18;
	[tilespmem:s15+$0x1830 ss:$0x81] =	vst.msk $0xffff, v3  }
.Ltmp4:
0x3a: {  	_ = 	snop;
	(pc) =	sbr.rel .LBB1_4-.Ltmp4, $1  }
0x3b: {  	_ =	sdelay $0x3  }
.LBB1_6:
0x3c: {  	_ =	sfence.sel $0x180000  }
0x3d: {  	s2 =	simm.s32 $0x1;
	[bflag:$0x0] =	sbarrier.arrive $0xFFFF  }
0x3e: {  	s31 =	simm.s32 $0x2;
	[sflag:s2] =	ssyncpa.u1 $0x1  }
0x3f: {  	[sflag:s31] =	ssyncpa.u1 $0x1  }
0x40: {  	p0 =	sne.s32 s0, $0x0;
	_ =	strace $0x9000004A  }
0x41: {  	s0 =	sadd.s32 @!p0 $0x100000, s1;
	[bflag:$0x2] =	sbarrier.arrive $0xFFFF  }
0x42: {  	[sflag:s0] =	ssyncadd.tile.s32 @!p0 $0x1;
	_ =	shalt  }
.Lfunc_end1:
_tile_overlayer_lowered:
.L_overlay_start_2:
0x43: {  	(tag) =	ssettag $0x2  }
0x44: {  	s0 =	rddreg [dreg:$0x0];
	s2 =	stileid.u32  }
0x45: {  	s1 =	rddreg [dreg:$0x1];
	p0 =	sne.s32 s2, $0x0  }
0x46: {  	s3 =	rddreg [dreg:$0x2];
	[bflag:$0x3] =	sbarrier.arrive $0xFFFF;
	s2 =	simm.s32 @!p0 $0x1C01  }
0x47: {  	[timem:s3], [sflag:s2] =	dma.local @!p0 [hbm:s0], s1  }
0x48: {  	s0 =	simm.s32 @!p0 $0x1  }
0x49: {  	_ =	swait.ge @!p0 [sflag:s0], s1  }
0x4a: {  	s1 =	ssub.s32 @!p0 $0x0, s1;
	[sflag:s0] =	ssyncset.done @!p0 $0x0  }
0x4b: {  	[sflag:s0] =	ssyncadd.s32 @!p0 s1  }
0x4c: {  	[bflag:$0x3] =	sbarrier.arrive $0xFFFF  }
0x4d: {  	_ =	shalt  }

</sc_bundles>
